<compile_context>
chip_gen: v7x
topology: tpu7x:2x2x1
jax: 0.10.2.dev20260603
libtpu: 0.0.44.dev20260713+nightly
codegen_flags: <defaults>
</compile_context>

<pallas_src>
import jax
import jax.numpy as jnp
from jax import lax
from jax.experimental import pallas as pl
from jax.experimental.pallas import tpu as pltpu
from jax.experimental.pallas import tpu_sc as plsc

N = 50000
E = 800000
NS = 16
NW = 32
CH = 128
EPW = E // NW
NCHUNK = 196
EPW_PAD = NCHUNK * CH
NPAD = 50176
RPT = NPAD // NS
BLK = 2000
F32 = jnp.float32
_P = lax.Precision.HIGHEST

_mesh = plsc.VectorSubcoreMesh(core_axis_name="c", subcore_axis_name="s")
_sc_params = pltpu.CompilerParams(use_tc_tiling_on_sc=False)


def _sds(*shape):
    return jax.ShapeDtypeStruct(shape, F32)


def _deg_body(dstp, zeros4, ones4, dega, degb, stage, ones_v, acc):
    c = lax.axis_index("c")
    s = lax.axis_index("s")
    slc = pl.ds(s * RPT, RPT)
    pltpu.sync_copy(zeros4.at[slc], acc.at[slc])
    pltpu.sync_copy(ones4, ones_v)
    plsc.subcore_barrier()
    w = c * NS + s
    pltpu.sync_copy(dstp.at[w], stage)

    @pl.loop(0, NCHUNK)
    def _(j):
        pltpu.sync_copy(ones_v, acc.at[stage.at[j]], add=True)

    plsc.subcore_barrier()

    @pl.when(c == 0)
    def _():
        pltpu.sync_copy(acc.at[slc], dega.at[slc])

    @pl.when(c == 1)
    def _():
        pltpu.sync_copy(acc.at[slc], degb.at[slc])


_deg_kernel = pl.kernel(
    _deg_body,
    out_type=[_sds(NPAD, 4), _sds(NPAD, 4)],
    mesh=_mesh,
    compiler_params=_sc_params,
    scratch_types=[
        pltpu.VMEM((NCHUNK, CH), jnp.int32),
        pltpu.VMEM((CH, 4), F32),
        pltpu.VMEM_SHARED((NPAD, 4), F32),
    ],
)


def _agg1_body(srcp, dstp, xn, zeros4, agg1a, agg1b, sstage, dstage, rows, acc):
    c = lax.axis_index("c")
    s = lax.axis_index("s")
    slc = pl.ds(s * RPT, RPT)
    pltpu.sync_copy(zeros4.at[slc], acc.at[slc])
    plsc.subcore_barrier()
    w = c * NS + s
    pltpu.sync_copy(srcp.at[w], sstage)
    pltpu.sync_copy(dstp.at[w], dstage)

    @pl.loop(0, NCHUNK)
    def _(j):
        pltpu.sync_copy(xn.at[sstage.at[j]], rows)
        pltpu.sync_copy(rows, acc.at[dstage.at[j]], add=True)

    plsc.subcore_barrier()

    @pl.when(c == 0)
    def _():
        pltpu.sync_copy(acc.at[slc], agg1a.at[slc])

    @pl.when(c == 1)
    def _():
        pltpu.sync_copy(acc.at[slc], agg1b.at[slc])


_agg1_kernel = pl.kernel(
    _agg1_body,
    out_type=[_sds(NPAD, 4), _sds(NPAD, 4)],
    mesh=_mesh,
    compiler_params=_sc_params,
    scratch_types=[
        pltpu.VMEM((NCHUNK, CH), jnp.int32),
        pltpu.VMEM((NCHUNK, CH), jnp.int32),
        pltpu.VMEM((CH, 4), F32),
        pltpu.VMEM_SHARED((NPAD, 4), F32),
    ],
)


def _agg2_body(srcp, dstp, tq0, tq1, tq2, tq3, zeros16, a2q0, a2q1, a2q2, a2q3,
               sstage, dstage, rows, acc):
    c = lax.axis_index("c")
    s = lax.axis_index("s")
    slc = pl.ds(s * RPT, RPT)

    def run(table, out):
        pltpu.sync_copy(zeros16.at[slc], acc.at[slc])
        plsc.subcore_barrier()

        @pl.loop(0, 2)
        def _(b):
            w = 2 * s + b
            pltpu.sync_copy(srcp.at[w], sstage)
            pltpu.sync_copy(dstp.at[w], dstage)

            @pl.loop(0, NCHUNK)
            def _(j):
                pltpu.sync_copy(table.at[sstage.at[j]], rows)
                pltpu.sync_copy(rows, acc.at[dstage.at[j]], add=True)

        plsc.subcore_barrier()
        pltpu.sync_copy(acc.at[slc], out.at[slc])
        plsc.subcore_barrier()

    @pl.when(c == 0)
    def _():
        run(tq0, a2q0)
        run(tq1, a2q1)

    @pl.when(c == 1)
    def _():
        run(tq2, a2q2)
        run(tq3, a2q3)


_agg2_kernel = pl.kernel(
    _agg2_body,
    out_type=[_sds(NPAD, 16)] * 4,
    mesh=_mesh,
    compiler_params=_sc_params,
    scratch_types=[
        pltpu.VMEM((NCHUNK, CH), jnp.int32),
        pltpu.VMEM((NCHUNK, CH), jnp.int32),
        pltpu.VMEM((CH, 16), F32),
        pltpu.VMEM_SHARED((NPAD, 16), F32),
    ],
)


def _tc1_body(dega, degb, x, dis, xn):
    d = dega[:, 0:1] + degb[:, 0:1] + 1.0
    dv = lax.rsqrt(d)
    dis[...] = dv
    xb = x[...] * dv
    xn[...] = jnp.concatenate([xb, jnp.zeros((BLK, 1), F32)], axis=1)


def _tc1(dega, degb, x):
    return pl.pallas_call(
        _tc1_body,
        grid=(N // BLK,),
        in_specs=[
            pl.BlockSpec((BLK, 4), lambda b: (b, 0)),
            pl.BlockSpec((BLK, 4), lambda b: (b, 0)),
            pl.BlockSpec((BLK, 3), lambda b: (b, 0)),
        ],
        out_specs=[
            pl.BlockSpec((BLK, 1), lambda b: (b, 0)),
            pl.BlockSpec((BLK, 4), lambda b: (b, 0)),
        ],
        out_shape=[_sds(N, 1), _sds(N, 4)],
    )(dega, degb, x)


def _tc2_body(a1a, a1b, xn, dis, w1p, b1, w2, tq0, tq1, tq2, tq3):
    a = (a1a[...] + a1b[...] + xn[...]) * dis[...]
    h1 = jnp.maximum(jnp.dot(a, w1p[...], precision=_P) + b1[...], 0.0)
    t = jnp.dot(h1, w2[...], precision=_P) * dis[...]
    tq0[...] = t[:, 0:16]
    tq1[...] = t[:, 16:32]
    tq2[...] = t[:, 32:48]
    tq3[...] = t[:, 48:64]


def _tc2(a1a, a1b, xn, dis, w1p, b1, w2):
    return pl.pallas_call(
        _tc2_body,
        grid=(N // BLK,),
        in_specs=[
            pl.BlockSpec((BLK, 4), lambda b: (b, 0)),
            pl.BlockSpec((BLK, 4), lambda b: (b, 0)),
            pl.BlockSpec((BLK, 4), lambda b: (b, 0)),
            pl.BlockSpec((BLK, 1), lambda b: (b, 0)),
            pl.BlockSpec((4, 128), lambda b: (0, 0)),
            pl.BlockSpec((1, 128), lambda b: (0, 0)),
            pl.BlockSpec((128, 64), lambda b: (0, 0)),
        ],
        out_specs=[pl.BlockSpec((BLK, 16), lambda b: (b, 0))] * 4,
        out_shape=[_sds(N, 16)] * 4,
    )(a1a, a1b, xn, dis, w1p, b1, w2)


def _tc3_body(a0, a1, a2, a3, t0, t1, t2, t3, dis, b2, wfc, bfc, out, acc):
    b = pl.program_id(0)

    @pl.when(b == 0)
    def _():
        acc[...] = jnp.zeros((1, 64), F32)

    h = jnp.concatenate(
        [a0[...] + t0[...], a1[...] + t1[...],
         a2[...] + t2[...], a3[...] + t3[...]], axis=1)
    h = jnp.maximum(h * dis[...] + b2[...], 0.0)
    acc[...] += jnp.sum(h, axis=0, keepdims=True)

    @pl.when(b == N // BLK - 1)
    def _():
        g = acc[...] * (1.0 / N)
        out[...] = jnp.dot(g, wfc[...], precision=_P) + bfc[...]


def _tc3(aq, tq, dis, b2, wfc, bfc):
    return pl.pallas_call(
        _tc3_body,
        grid=(N // BLK,),
        in_specs=(
            [pl.BlockSpec((BLK, 16), lambda b: (b, 0))] * 8
            + [
                pl.BlockSpec((BLK, 1), lambda b: (b, 0)),
                pl.BlockSpec((1, 64), lambda b: (0, 0)),
                pl.BlockSpec((64, 3), lambda b: (0, 0)),
                pl.BlockSpec((1, 3), lambda b: (0, 0)),
            ]
        ),
        out_specs=pl.BlockSpec((1, 3), lambda b: (0, 0)),
        out_shape=_sds(1, 3),
        scratch_shapes=[pltpu.VMEM((1, 64), F32)],
    )(*aq, *tq, dis, b2, wfc, bfc)


def kernel(x, edge_index, W1, b1, W2, b2, Wfc, bfc):
    wids = jnp.arange(NW, dtype=jnp.int32)
    src_fill = jnp.broadcast_to(((wids * 997) % N)[:, None], (NW, EPW_PAD - EPW))
    dst_fill = jnp.broadcast_to((N + (wids % 8))[:, None], (NW, EPW_PAD - EPW))
    srcp = jnp.concatenate([edge_index[0].reshape(NW, EPW), src_fill], axis=1)
    dstp = jnp.concatenate([edge_index[1].reshape(NW, EPW), dst_fill], axis=1)
    srcp = srcp.reshape(NW, NCHUNK, CH)
    dstp = dstp.reshape(NW, NCHUNK, CH)

    zeros4 = jnp.zeros((NPAD, 4), F32)
    zeros16 = jnp.zeros((NPAD, 16), F32)
    ones4 = jnp.ones((CH, 4), F32)
    w1p = jnp.concatenate([W1, jnp.zeros((1, 128), F32)], axis=0)

    dega, degb = _deg_kernel(dstp, zeros4, ones4)
    dis, xn = _tc1(dega, degb, x)
    a1a, a1b = _agg1_kernel(srcp, dstp, xn, zeros4)
    tq = _tc2(a1a, a1b, xn, dis, w1p, b1.reshape(1, 128), W2)
    aq = _agg2_kernel(srcp, dstp, *tq, zeros16)
    out = _tc3(aq, tq, dis, b2.reshape(1, 64), Wfc, bfc.reshape(1, 3))
    return out.reshape(3)

# --- scband reference (transcript-rebuilt; emitter-appended) ---
"""Pipeline reference for scband-gnnmodel-25744033972357 (READ-ONLY COPY).

The authoritative reference and input builder live on the scoring server;
editing this copy changes nothing except your own understanding.
"""

import jax, jax.numpy as jnp
import numpy as np

N = 50000
E = 800000


def setup_inputs(seed: int = 0) -> dict:
    key = jax.random.key(seed)
    ks = jax.random.split(key, 8)
    x = jax.random.normal(ks[0], (N, 3), dtype=jnp.float32)
    edge_index = jax.random.randint(ks[1], (2, E), 0, N, dtype=jnp.int32)
    W1 = jax.random.normal(ks[2], (3, 128), dtype=jnp.float32) * (1.0 / np.sqrt(3.0))
    b1 = jnp.zeros((128,), dtype=jnp.float32)
    W2 = jax.random.normal(ks[3], (128, 64), dtype=jnp.float32) * (1.0 / np.sqrt(128.0))
    b2 = jnp.zeros((64,), dtype=jnp.float32)
    Wfc = jax.random.normal(ks[4], (64, 3), dtype=jnp.float32) * (1.0 / np.sqrt(64.0))
    bfc = jnp.zeros((3,), dtype=jnp.float32)
    return {"x": x, "edge_index": edge_index, "W1": W1, "b1": b1, "W2": W2, "b2": b2, "Wfc": Wfc, "bfc": bfc}


def _gcn_conv(x, edge_index, W, b):
    # PyG-style GCNConv: add self-loops, symmetric normalization, linear transform, scatter-add aggregate
    n = x.shape[0]
    loop = jnp.arange(n, dtype=edge_index.dtype)
    src = jnp.concatenate([edge_index[0], loop])
    dst = jnp.concatenate([edge_index[1], loop])
    h = x @ W
    deg = jnp.zeros((n,), dtype=jnp.float32).at[dst].add(1.0)
    dis = jnp.where(deg > 0, jax.lax.rsqrt(jnp.maximum(deg, 1e-12)), 0.0)
    norm = dis[src] * dis[dst]
    msg = h[src] * norm[:, None]
    out = jax.ops.segment_sum(msg, dst, num_segments=n)
    return out + b


def reference(x, edge_index, W1, b1, W2, b2, Wfc, bfc):
    h = jax.nn.relu(_gcn_conv(x, edge_index, W1, b1))
    h = jax.nn.relu(_gcn_conv(h, edge_index, W2, b2))
    g = jnp.mean(h, axis=0)
    out = g @ Wfc + bfc
    return out

if __name__ == "__main__":
    import jax
    _d = setup_inputs()
    print(jax.jit(kernel)(*tuple(_d.values())))

</pallas_src>

<mosaic_0001>
#map = affine_map<(d0, d1) -> (0, 0, 0)>
#map1 = affine_map<(d0, d1) -> (0, 0)>
module attributes {stable_mosaic.version = 14 : i64} {
  func.func @_deg_body(%arg0: i32, %arg1: i32, %arg2: memref<32x196x128xi32, #tpu.memory_space<hbm>>, %arg3: memref<50176x4xf32, #tpu.memory_space<hbm>>, %arg4: memref<128x4xf32, #tpu.memory_space<hbm>>, %arg5: memref<50176x4xf32, #tpu.memory_space<hbm>>, %arg6: memref<50176x4xf32, #tpu.memory_space<hbm>>, %arg7: memref<196x128xi32, #tpu.memory_space<vmem>>, %arg8: memref<128x4xf32, #tpu.memory_space<vmem>>, %arg9: memref<50176x4xf32, #tpu.memory_space<vmem_shared>>) attributes {dimension_semantics = [#tpu.dimension_semantics<core_parallel>, #tpu.dimension_semantics<subcore_parallel>], iteration_bounds = array<i64: 2, 16>, scalar_prefetch = 0 : i64, scratch_operands = 3 : i64, tpu.core_type = #tpu.core_type<sc_vector_subcore>, window_params = [{transform_indices = #map}, {transform_indices = #map1}, {transform_indices = #map1}, {transform_indices = #map1}, {transform_indices = #map1}]} {
    %mul3A = arith.constant 3136 : i32
    %mul3A_0 = arith.muli %arg1, %mul3A : i32
    "tpu.region"() ({
      %run_scoped3A = tpu.sem_alloc : memref<!tpu.dma_semaphore, #tpu.memory_space<semaphore_mem>>
      %dma_start3A = arith.constant 0 : i32
      %dma_start3A_15 = tpu.memref_slice %arg9[%mul3A_0, %dma_start3A] : memref<50176x4xf32, #tpu.memory_space<vmem_shared>> -> memref<3136x4xf32, #tpu.memory_space<vmem_shared>>
      %dma_start3A_16 = arith.constant 0 : i32
      %dma_start3A_17 = tpu.memref_slice %arg3[%mul3A_0, %dma_start3A_16] : memref<50176x4xf32, #tpu.memory_space<hbm>> -> memref<3136x4xf32, #tpu.memory_space<hbm>>
      tpu.enqueue_dma source(%dma_start3A_17 : memref<3136x4xf32, #tpu.memory_space<hbm>>) target(%dma_start3A_15 : memref<3136x4xf32, #tpu.memory_space<vmem_shared>>) target_semaphore(%run_scoped3A : memref<!tpu.dma_semaphore, #tpu.memory_space<semaphore_mem>>)
      %dma_wait3A = arith.constant 0 : i32
      %dma_wait3A_18 = tpu.memref_slice %arg9[%mul3A_0, %dma_wait3A] : memref<50176x4xf32, #tpu.memory_space<vmem_shared>> -> memref<3136x4xf32, #tpu.memory_space<vmem_shared>>
      %dma_wait3A_19 = arith.constant 0 : i32
      %dma_wait3A_20 = tpu.memref_slice %arg3[%mul3A_0, %dma_wait3A_19] : memref<50176x4xf32, #tpu.memory_space<hbm>> -> memref<3136x4xf32, #tpu.memory_space<hbm>>
      tpu.wait_dma2 semaphore(%run_scoped3A : memref<!tpu.dma_semaphore, #tpu.memory_space<semaphore_mem>>) src(%dma_wait3A_20 : memref<3136x4xf32, #tpu.memory_space<hbm>>) dst(%dma_wait3A_18 : memref<3136x4xf32, #tpu.memory_space<vmem_shared>>)
      tpu.yield
    }) : () -> ()
    "tpu.region"() ({
      %run_scoped3A = tpu.sem_alloc : memref<!tpu.dma_semaphore, #tpu.memory_space<semaphore_mem>>
      tpu.enqueue_dma source(%arg4 : memref<128x4xf32, #tpu.memory_space<hbm>>) target(%arg8 : memref<128x4xf32, #tpu.memory_space<vmem>>) target_semaphore(%run_scoped3A : memref<!tpu.dma_semaphore, #tpu.memory_space<semaphore_mem>>)
      tpu.wait_dma2 semaphore(%run_scoped3A : memref<!tpu.dma_semaphore, #tpu.memory_space<semaphore_mem>>) src(%arg4 : memref<128x4xf32, #tpu.memory_space<hbm>>) dst(%arg8 : memref<128x4xf32, #tpu.memory_space<vmem>>)
      tpu.yield
    }) : () -> ()
    %barrier3A = arith.constant 0 : index
    tpu.barrier barrier_id(%barrier3A)
    %mul3A_1 = arith.constant 16 : i32
    %mul3A_2 = arith.muli %arg0, %mul3A_1 : i32
    %add3A = arith.addi %mul3A_2, %arg1 : i32
    "tpu.region"() ({
      %run_scoped3A = tpu.sem_alloc : memref<!tpu.dma_semaphore, #tpu.memory_space<semaphore_mem>>
      %dma_start3A = arith.constant 0 : i32
      %dma_start3A_15 = arith.constant 0 : i32
      %dma_start3A_16 = tpu.memref_slice %arg2[%add3A, %dma_start3A, %dma_start3A_15] : memref<32x196x128xi32, #tpu.memory_space<hbm>> -> memref<1x196x128xi32, #tpu.memory_space<hbm>>
      %dma_start3A_17 = tpu.memref_squeeze %dma_start3A_16 : memref<1x196x128xi32, #tpu.memory_space<hbm>> -> memref<196x128xi32, #tpu.memory_space<hbm>>
      %dma_start3A_18 = arith.constant 0 : i32
      %dma_start3A_19 = arith.constant 0 : i32
      %dma_start3A_20 = tpu.memref_slice %arg2[%add3A, %dma_start3A_18, %dma_start3A_19] : memref<32x196x128xi32, #tpu.memory_space<hbm>> -> memref<1x196x128xi32, #tpu.memory_space<hbm>>
      %dma_start3A_21 = tpu.memref_squeeze %dma_start3A_20 : memref<1x196x128xi32, #tpu.memory_space<hbm>> -> memref<196x128xi32, #tpu.memory_space<hbm>>
      tpu.enqueue_dma source(%dma_start3A_21 : memref<196x128xi32, #tpu.memory_space<hbm>>) target(%arg7 : memref<196x128xi32, #tpu.memory_space<vmem>>) target_semaphore(%run_scoped3A : memref<!tpu.dma_semaphore, #tpu.memory_space<semaphore_mem>>)
      %dma_wait3A = arith.constant 0 : i32
      %dma_wait3A_22 = arith.constant 0 : i32
      %dma_wait3A_23 = tpu.memref_slice %arg2[%add3A, %dma_wait3A, %dma_wait3A_22] : memref<32x196x128xi32, #tpu.memory_space<hbm>> -> memref<1x196x128xi32, #tpu.memory_space<hbm>>
      %dma_wait3A_24 = tpu.memref_squeeze %dma_wait3A_23 : memref<1x196x128xi32, #tpu.memory_space<hbm>> -> memref<196x128xi32, #tpu.memory_space<hbm>>
      %dma_wait3A_25 = arith.constant 0 : i32
      %dma_wait3A_26 = arith.constant 0 : i32
      %dma_wait3A_27 = tpu.memref_slice %arg2[%add3A, %dma_wait3A_25, %dma_wait3A_26] : memref<32x196x128xi32, #tpu.memory_space<hbm>> -> memref<1x196x128xi32, #tpu.memory_space<hbm>>
      %dma_wait3A_28 = tpu.memref_squeeze %dma_wait3A_27 : memref<1x196x128xi32, #tpu.memory_space<hbm>> -> memref<196x128xi32, #tpu.memory_space<hbm>>
      tpu.wait_dma2 semaphore(%run_scoped3A : memref<!tpu.dma_semaphore, #tpu.memory_space<semaphore_mem>>) src(%dma_wait3A_28 : memref<196x128xi32, #tpu.memory_space<hbm>>) dst(%arg7 : memref<196x128xi32, #tpu.memory_space<vmem>>)
      tpu.yield
    }) : () -> ()
    %scan3A = arith.constant 0 : i32
    %scan3A_3 = arith.constant 196 : i32
    %scan3A_4 = arith.addi %scan3A, %scan3A_3 : i32
    %scan3A_5 = arith.constant 1 : i32
    scf.for %scan3A_15 = %scan3A to %scan3A_4 step %scan3A_5  : i32 {
      %mul3A_16 = arith.constant 1 : i32
      %mul3A_17 = arith.muli %scan3A_15, %mul3A_16 : i32
      %add3A_18 = arith.constant 0 : i32
      %add3A_19 = arith.addi %add3A_18, %mul3A_17 : i32
      "tpu.region"() ({
        %run_scoped3A = tpu.sem_alloc : memref<!tpu.dma_semaphore, #tpu.memory_space<semaphore_mem>>
        %dma_start3A = arith.constant 0 : i32
        %dma_start3A_20 = tpu.memref_slice %arg7[%add3A_19, %dma_start3A] : memref<196x128xi32, #tpu.memory_space<vmem>> -> memref<1x128xi32, #tpu.memory_space<vmem>>
        %dma_start3A_21 = tpu.memref_squeeze %dma_start3A_20 : memref<1x128xi32, #tpu.memory_space<vmem>> -> memref<128xi32, #tpu.memory_space<vmem>>
        %dma_start3A_22 = arith.constant 0 : i32
        %dma_start3A_23 = arith.constant 0 : i32
        %dma_start3A_24 = tpu.memref_slice %arg9[%dma_start3A_22, %dma_start3A_23] : memref<50176x4xf32, #tpu.memory_space<vmem_shared>> -> memref<50176x4xf32, #tpu.memory_space<vmem_shared>>
        tpu.enqueue_indirect_dma source(%arg8 : memref<128x4xf32, #tpu.memory_space<vmem>>) target(%dma_start3A_24 : memref<50176x4xf32, #tpu.memory_space<vmem_shared>>) offsets(%dma_start3A_21 : memref<128xi32, #tpu.memory_space<vmem>>) semaphore(%run_scoped3A : memref<!tpu.dma_semaphore, #tpu.memory_space<semaphore_mem>>) {add = true}
        %dma_wait3A = arith.constant 0 : i32
        %dma_wait3A_25 = tpu.memref_slice %arg7[%add3A_19, %dma_wait3A] : memref<196x128xi32, #tpu.memory_space<vmem>> -> memref<1x128xi32, #tpu.memory_space<vmem>>
        %dma_wait3A_26 = tpu.memref_squeeze %dma_wait3A_25 : memref<1x128xi32, #tpu.memory_space<vmem>> -> memref<128xi32, #tpu.memory_space<vmem>>
        %dma_wait3A_27 = arith.constant 0 : i32
        %dma_wait3A_28 = arith.constant 0 : i32
        %dma_wait3A_29 = tpu.memref_slice %arg9[%dma_wait3A_27, %dma_wait3A_28] : memref<50176x4xf32, #tpu.memory_space<vmem_shared>> -> memref<50176x4xf32, #tpu.memory_space<vmem_shared>>
        tpu.wait_indirect_dma semaphore(%run_scoped3A : memref<!tpu.dma_semaphore, #tpu.memory_space<semaphore_mem>>) src(%arg8 : memref<128x4xf32, #tpu.memory_space<vmem>>) dst(%dma_wait3A_29 : memref<50176x4xf32, #tpu.memory_space<vmem_shared>>)
        tpu.yield
      }) : () -> ()
    }
    %scan3A_6 = arith.constant 196 : i32
    %barrier3A_7 = arith.constant 0 : index
    tpu.barrier barrier_id(%barrier3A_7)
    %eq3A = arith.constant 0 : i32
    %eq3A_8 = arith.cmpi eq, %arg0, %eq3A : i32
    %convert_element_type3A = arith.extui %eq3A_8 : i1 to i32
    %cond3A = arith.constant 0 : i32
    %cond3A_9 = arith.cmpi ne, %convert_element_type3A, %cond3A : i32
    scf.if %cond3A_9 {
      "tpu.region"() ({
        %run_scoped3A = tpu.sem_alloc : memref<!tpu.dma_semaphore, #tpu.memory_space<semaphore_mem>>
        %dma_start3A = arith.constant 0 : i32
        %dma_start3A_15 = tpu.memref_slice %arg5[%mul3A_0, %dma_start3A] : memref<50176x4xf32, #tpu.memory_space<hbm>> -> memref<3136x4xf32, #tpu.memory_space<hbm>>
        %dma_start3A_16 = arith.constant 0 : i32
        %dma_start3A_17 = tpu.memref_slice %arg9[%mul3A_0, %dma_start3A_16] : memref<50176x4xf32, #tpu.memory_space<vmem_shared>> -> memref<3136x4xf32, #tpu.memory_space<vmem_shared>>
        tpu.enqueue_dma source(%dma_start3A_17 : memref<3136x4xf32, #tpu.memory_space<vmem_shared>>) target(%dma_start3A_15 : memref<3136x4xf32, #tpu.memory_space<hbm>>) target_semaphore(%run_scoped3A : memref<!tpu.dma_semaphore, #tpu.memory_space<semaphore_mem>>)
        %dma_wait3A = arith.constant 0 : i32
        %dma_wait3A_18 = tpu.memref_slice %arg5[%mul3A_0, %dma_wait3A] : memref<50176x4xf32, #tpu.memory_space<hbm>> -> memref<3136x4xf32, #tpu.memory_space<hbm>>
        %dma_wait3A_19 = arith.constant 0 : i32
        %dma_wait3A_20 = tpu.memref_slice %arg9[%mul3A_0, %dma_wait3A_19] : memref<50176x4xf32, #tpu.memory_space<vmem_shared>> -> memref<3136x4xf32, #tpu.memory_space<vmem_shared>>
        tpu.wait_dma2 semaphore(%run_scoped3A : memref<!tpu.dma_semaphore, #tpu.memory_space<semaphore_mem>>) src(%dma_wait3A_20 : memref<3136x4xf32, #tpu.memory_space<vmem_shared>>) dst(%dma_wait3A_18 : memref<3136x4xf32, #tpu.memory_space<hbm>>)
        tpu.yield
      }) : () -> ()
    } else {
    }
    %eq3A_10 = arith.constant 1 : i32
    %eq3A_11 = arith.cmpi eq, %arg0, %eq3A_10 : i32
    %convert_element_type3A_12 = arith.extui %eq3A_11 : i1 to i32
    %cond3A_13 = arith.constant 0 : i32
    %cond3A_14 = arith.cmpi ne, %convert_element_type3A_12, %cond3A_13 : i32
    scf.if %cond3A_14 {
      "tpu.region"() ({
        %run_scoped3A = tpu.sem_alloc : memref<!tpu.dma_semaphore, #tpu.memory_space<semaphore_mem>>
        %dma_start3A = arith.constant 0 : i32
        %dma_start3A_15 = tpu.memref_slice %arg6[%mul3A_0, %dma_start3A] : memref<50176x4xf32, #tpu.memory_space<hbm>> -> memref<3136x4xf32, #tpu.memory_space<hbm>>
        %dma_start3A_16 = arith.constant 0 : i32
        %dma_start3A_17 = tpu.memref_slice %arg9[%mul3A_0, %dma_start3A_16] : memref<50176x4xf32, #tpu.memory_space<vmem_shared>> -> memref<3136x4xf32, #tpu.memory_space<vmem_shared>>
        tpu.enqueue_dma source(%dma_start3A_17 : memref<3136x4xf32, #tpu.memory_space<vmem_shared>>) target(%dma_start3A_15 : memref<3136x4xf32, #tpu.memory_space<hbm>>) target_semaphore(%run_scoped3A : memref<!tpu.dma_semaphore, #tpu.memory_space<semaphore_mem>>)
        %dma_wait3A = arith.constant 0 : i32
        %dma_wait3A_18 = tpu.memref_slice %arg6[%mul3A_0, %dma_wait3A] : memref<50176x4xf32, #tpu.memory_space<hbm>> -> memref<3136x4xf32, #tpu.memory_space<hbm>>
        %dma_wait3A_19 = arith.constant 0 : i32
        %dma_wait3A_20 = tpu.memref_slice %arg9[%mul3A_0, %dma_wait3A_19] : memref<50176x4xf32, #tpu.memory_space<vmem_shared>> -> memref<3136x4xf32, #tpu.memory_space<vmem_shared>>
        tpu.wait_dma2 semaphore(%run_scoped3A : memref<!tpu.dma_semaphore, #tpu.memory_space<semaphore_mem>>) src(%dma_wait3A_20 : memref<3136x4xf32, #tpu.memory_space<vmem_shared>>) dst(%dma_wait3A_18 : memref<3136x4xf32, #tpu.memory_space<hbm>>)
        tpu.yield
      }) : () -> ()
    } else {
    }
    return
  }
}

#map = affine_map<(d0, d1) -> (0, 0, 0)>
#map1 = affine_map<(d0, d1) -> (0, 0)>
module attributes {stable_mosaic.version = 14 : i64} {
  func.func @_agg2_body(%arg0: i32, %arg1: i32, %arg2: memref<32x196x128xi32, #tpu.memory_space<hbm>>, %arg3: memref<32x196x128xi32, #tpu.memory_space<hbm>>, %arg4: memref<50000x16xf32, #tpu.memory_space<hbm>>, %arg5: memref<50000x16xf32, #tpu.memory_space<hbm>>, %arg6: memref<50000x16xf32, #tpu.memory_space<hbm>>, %arg7: memref<50000x16xf32, #tpu.memory_space<hbm>>, %arg8: memref<50176x16xf32, #tpu.memory_space<hbm>>, %arg9: memref<50176x16xf32, #tpu.memory_space<hbm>>, %arg10: memref<50176x16xf32, #tpu.memory_space<hbm>>, %arg11: memref<50176x16xf32, #tpu.memory_space<hbm>>, %arg12: memref<50176x16xf32, #tpu.memory_space<hbm>>, %arg13: memref<196x128xi32, #tpu.memory_space<vmem>>, %arg14: memref<196x128xi32, #tpu.memory_space<vmem>>, %arg15: memref<128x16xf32, #tpu.memory_space<vmem>>, %arg16: memref<50176x16xf32, #tpu.memory_space<vmem_shared>>) attributes {dimension_semantics = [#tpu.dimension_semantics<core_parallel>, #tpu.dimension_semantics<subcore_parallel>], iteration_bounds = array<i64: 2, 16>, scalar_prefetch = 0 : i64, scratch_operands = 4 : i64, tpu.core_type = #tpu.core_type<sc_vector_subcore>, window_params = [{transform_indices = #map}, {transform_indices = #map}, {transform_indices = #map1}, {transform_indices = #map1}, {transform_indices = #map1}, {transform_indices = #map1}, {transform_indices = #map1}, {transform_indices = #map1}, {transform_indices = #map1}, {transform_indices = #map1}, {transform_indices = #map1}]} {
    %mul3A = arith.constant 3136 : i32
    %mul3A_0 = arith.muli %arg1, %mul3A : i32
    %eq3A = arith.constant 0 : i32
    %eq3A_1 = arith.cmpi eq, %arg0, %eq3A : i32
    %convert_element_type3A = arith.extui %eq3A_1 : i1 to i32
    %cond3A = arith.constant 0 : i32
    %cond3A_2 = arith.cmpi ne, %convert_element_type3A, %cond3A : i32
    scf.if %cond3A_2 {
      "tpu.region"() ({
        %run_scoped3A = tpu.sem_alloc : memref<!tpu.dma_semaphore, #tpu.memory_space<semaphore_mem>>
        %dma_start3A = arith.constant 0 : i32
        %dma_start3A_22 = tpu.memref_slice %arg16[%mul3A_0, %dma_start3A] : memref<50176x16xf32, #tpu.memory_space<vmem_shared>> -> memref<3136x16xf32, #tpu.memory_space<vmem_shared>>
        %dma_start3A_23 = arith.constant 0 : i32
        %dma_start3A_24 = tpu.memref_slice %arg8[%mul3A_0, %dma_start3A_23] : memref<50176x16xf32, #tpu.memory_space<hbm>> -> memref<3136x16xf32, #tpu.memory_space<hbm>>
        tpu.enqueue_dma source(%dma_start3A_24 : memref<3136x16xf32, #tpu.memory_space<hbm>>) target(%dma_start3A_22 : memref<3136x16xf32, #tpu.memory_space<vmem_shared>>) target_semaphore(%run_scoped3A : memref<!tpu.dma_semaphore, #tpu.memory_space<semaphore_mem>>)
        %dma_wait3A = arith.constant 0 : i32
        %dma_wait3A_25 = tpu.memref_slice %arg16[%mul3A_0, %dma_wait3A] : memref<50176x16xf32, #tpu.memory_space<vmem_shared>> -> memref<3136x16xf32, #tpu.memory_space<vmem_shared>>
        %dma_wait3A_26 = arith.constant 0 : i32
        %dma_wait3A_27 = tpu.memref_slice %arg8[%mul3A_0, %dma_wait3A_26] : memref<50176x16xf32, #tpu.memory_space<hbm>> -> memref<3136x16xf32, #tpu.memory_space<hbm>>
        tpu.wait_dma2 semaphore(%run_scoped3A : memref<!tpu.dma_semaphore, #tpu.memory_space<semaphore_mem>>) src(%dma_wait3A_27 : memref<3136x16xf32, #tpu.memory_space<hbm>>) dst(%dma_wait3A_25 : memref<3136x16xf32, #tpu.memory_space<vmem_shared>>)
        tpu.yield
      }) : () -> ()
      %barrier3A = arith.constant 0 : index
      tpu.barrier barrier_id(%barrier3A)
      %scan3A = arith.constant 0 : i32
      %scan3A_8 = arith.constant 2 : i32
      %scan3A_9 = arith.addi %scan3A, %scan3A_8 : i32
      %scan3A_10 = arith.constant 1 : i32
      scf.for %scan3A_22 = %scan3A to %scan3A_9 step %scan3A_10  : i32 {
        %mul3A_23 = arith.constant 1 : i32
        %mul3A_24 = arith.muli %scan3A_22, %mul3A_23 : i32
        %add3A = arith.constant 0 : i32
        %add3A_25 = arith.addi %add3A, %mul3A_24 : i32
        %mul3A_26 = arith.constant 2 : i32
        %mul3A_27 = arith.muli %mul3A_26, %arg1 : i32
        %add3A_28 = arith.addi %mul3A_27, %add3A_25 : i32
        "tpu.region"() ({
          %run_scoped3A = tpu.sem_alloc : memref<!tpu.dma_semaphore, #tpu.memory_space<semaphore_mem>>
          %dma_start3A = arith.constant 0 : i32
          %dma_start3A_34 = arith.constant 0 : i32
          %dma_start3A_35 = tpu.memref_slice %arg2[%add3A_28, %dma_start3A, %dma_start3A_34] : memref<32x196x128xi32, #tpu.memory_space<hbm>> -> memref<1x196x128xi32, #tpu.memory_space<hbm>>
          %dma_start3A_36 = tpu.memref_squeeze %dma_start3A_35 : memref<1x196x128xi32, #tpu.memory_space<hbm>> -> memref<196x128xi32, #tpu.memory_space<hbm>>
          %dma_start3A_37 = arith.constant 0 : i32
          %dma_start3A_38 = arith.constant 0 : i32
          %dma_start3A_39 = tpu.memref_slice %arg2[%add3A_28, %dma_start3A_37, %dma_start3A_38] : memref<32x196x128xi32, #tpu.memory_space<hbm>> -> memref<1x196x128xi32, #tpu.memory_space<hbm>>
          %dma_start3A_40 = tpu.memref_squeeze %dma_start3A_39 : memref<1x196x128xi32, #tpu.memory_space<hbm>> -> memref<196x128xi32, #tpu.memory_space<hbm>>
          tpu.enqueue_dma source(%dma_start3A_40 : memref<196x128xi32, #tpu.memory_space<hbm>>) target(%arg13 : memref<196x128xi32, #tpu.memory_space<vmem>>) target_semaphore(%run_scoped3A : memref<!tpu.dma_semaphore, #tpu.memory_space<semaphore_mem>>)
          %dma_wait3A = arith.constant 0 : i32
          %dma_wait3A_41 = arith.constant 0 : i32
          %dma_wait3A_42 = tpu.memref_slice %arg2[%add3A_28, %dma_wait3A, %dma_wait3A_41] : memref<32x196x128xi32, #tpu.memory_space<hbm>> -> memref<1x196x128xi32, #tpu.memory_space<hbm>>
          %dma_wait3A_43 = tpu.memref_squeeze %dma_wait3A_42 : memref<1x196x128xi32, #tpu.memory_space<hbm>> -> memref<196x128xi32, #tpu.memory_space<hbm>>
          %dma_wait3A_44 = arith.constant 0 : i32
          %dma_wait3A_45 = arith.constant 0 : i32
          %dma_wait3A_46 = tpu.memref_slice %arg2[%add3A_28, %dma_wait3A_44, %dma_wait3A_45] : memref<32x196x128xi32, #tpu.memory_space<hbm>> -> memref<1x196x128xi32, #tpu.memory_space<hbm>>
          %dma_wait3A_47 = tpu.memref_squeeze %dma_wait3A_46 : memref<1x196x128xi32, #tpu.memory_space<hbm>> -> memref<196x128xi32, #tpu.memory_space<hbm>>
          tpu.wait_dma2 semaphore(%run_scoped3A : memref<!tpu.dma_semaphore, #tpu.memory_space<semaphore_mem>>) src(%dma_wait3A_47 : memref<196x128xi32, #tpu.memory_space<hbm>>) dst(%arg13 : memref<196x128xi32, #tpu.memory_space<vmem>>)
          tpu.yield
        }) : () -> ()
        "tpu.region"() ({
          %run_scoped3A = tpu.sem_alloc : memref<!tpu.dma_semaphore, #tpu.memory_space<semaphore_mem>>
          %dma_start3A = arith.constant 0 : i32
          %dma_start3A_34 = arith.constant 0 : i32
          %dma_start3A_35 = tpu.memref_slice %arg3[%add3A_28, %dma_start3A, %dma_start3A_34] : memref<32x196x128xi32, #tpu.memory_space<hbm>> -> memref<1x196x128xi32, #tpu.memory_space<hbm>>
          %dma_start3A_36 = tpu.memref_squeeze %dma_start3A_35 : memref<1x196x128xi32, #tpu.memory_space<hbm>> -> memref<196x128xi32, #tpu.memory_space<hbm>>
          %dma_start3A_37 = arith.constant 0 : i32
          %dma_start3A_38 = arith.constant 0 : i32
          %dma_start3A_39 = tpu.memref_slice %arg3[%add3A_28, %dma_start3A_37, %dma_start3A_38] : memref<32x196x128xi32, #tpu.memory_space<hbm>> -> memref<1x196x128xi32, #tpu.memory_space<hbm>>
          %dma_start3A_40 = tpu.memref_squeeze %dma_start3A_39 : memref<1x196x128xi32, #tpu.memory_space<hbm>> -> memref<196x128xi32, #tpu.memory_space<hbm>>
          tpu.enqueue_dma source(%dma_start3A_40 : memref<196x128xi32, #tpu.memory_space<hbm>>) target(%arg14 : memref<196x128xi32, #tpu.memory_space<vmem>>) target_semaphore(%run_scoped3A : memref<!tpu.dma_semaphore, #tpu.memory_space<semaphore_mem>>)
          %dma_wait3A = arith.constant 0 : i32
          %dma_wait3A_41 = arith.constant 0 : i32
          %dma_wait3A_42 = tpu.memref_slice %arg3[%add3A_28, %dma_wait3A, %dma_wait3A_41] : memref<32x196x128xi32, #tpu.memory_space<hbm>> -> memref<1x196x128xi32, #tpu.memory_space<hbm>>
          %dma_wait3A_43 = tpu.memref_squeeze %dma_wait3A_42 : memref<1x196x128xi32, #tpu.memory_space<hbm>> -> memref<196x128xi32, #tpu.memory_space<hbm>>
          %dma_wait3A_44 = arith.constant 0 : i32
          %dma_wait3A_45 = arith.constant 0 : i32
          %dma_wait3A_46 = tpu.memref_slice %arg3[%add3A_28, %dma_wait3A_44, %dma_wait3A_45] : memref<32x196x128xi32, #tpu.memory_space<hbm>> -> memref<1x196x128xi32, #tpu.memory_space<hbm>>
          %dma_wait3A_47 = tpu.memref_squeeze %dma_wait3A_46 : memref<1x196x128xi32, #tpu.memory_space<hbm>> -> memref<196x128xi32, #tpu.memory_space<hbm>>
          tpu.wait_dma2 semaphore(%run_scoped3A : memref<!tpu.dma_semaphore, #tpu.memory_space<semaphore_mem>>) src(%dma_wait3A_47 : memref<196x128xi32, #tpu.memory_space<hbm>>) dst(%arg14 : memref<196x128xi32, #tpu.memory_space<vmem>>)
          tpu.yield
        }) : () -> ()
        %scan3A_29 = arith.constant 0 : i32
        %scan3A_30 = arith.constant 196 : i32
        %scan3A_31 = arith.addi %scan3A_29, %scan3A_30 : i32
        %scan3A_32 = arith.constant 1 : i32
        scf.for %scan3A_34 = %scan3A_29 to %scan3A_31 step %scan3A_32  : i32 {
          %mul3A_35 = arith.constant 1 : i32
          %mul3A_36 = arith.muli %scan3A_34, %mul3A_35 : i32
          %add3A_37 = arith.constant 0 : i32
          %add3A_38 = arith.addi %add3A_37, %mul3A_36 : i32
          "tpu.region"() ({
            %run_scoped3A = tpu.sem_alloc : memref<!tpu.dma_semaphore, #tpu.memory_space<semaphore_mem>>
            %dma_start3A = arith.constant 0 : i32
            %dma_start3A_39 = tpu.memref_slice %arg13[%add3A_38, %dma_start3A] : memref<196x128xi32, #tpu.memory_space<vmem>> -> memref<1x128xi32, #tpu.memory_space<vmem>>
            %dma_start3A_40 = tpu.memref_squeeze %dma_start3A_39 : memref<1x128xi32, #tpu.memory_space<vmem>> -> memref<128xi32, #tpu.memory_space<vmem>>
            %dma_start3A_41 = arith.constant 0 : i32
            %dma_start3A_42 = arith.constant 0 : i32
            %dma_start3A_43 = tpu.memref_slice %arg4[%dma_start3A_41, %dma_start3A_42] : memref<50000x16xf32, #tpu.memory_space<hbm>> -> memref<50000x16xf32, #tpu.memory_space<hbm>>
            tpu.enqueue_indirect_dma source(%dma_start3A_43 : memref<50000x16xf32, #tpu.memory_space<hbm>>) target(%arg15 : memref<128x16xf32, #tpu.memory_space<vmem>>) offsets(%dma_start3A_40 : memref<128xi32, #tpu.memory_space<vmem>>) semaphore(%run_scoped3A : memref<!tpu.dma_semaphore, #tpu.memory_space<semaphore_mem>>)
            %dma_wait3A = arith.constant 0 : i32
            %dma_wait3A_44 = tpu.memref_slice %arg13[%add3A_38, %dma_wait3A] : memref<196x128xi32, #tpu.memory_space<vmem>> -> memref<1x128xi32, #tpu.memory_space<vmem>>
            %dma_wait3A_45 = tpu.memref_squeeze %dma_wait3A_44 : memref<1x128xi32, #tpu.memory_space<vmem>> -> memref<128xi32, #tpu.memory_space<vmem>>
            %dma_wait3A_46 = arith.constant 0 : i32
            %dma_wait3A_47 = arith.constant 0 : i32
            %dma_wait3A_48 = tpu.memref_slice %arg4[%dma_wait3A_46, %dma_wait3A_47] : memref<50000x16xf32, #tpu.memory_space<hbm>> -> memref<50000x16xf32, #tpu.memory_space<hbm>>
            tpu.wait_indirect_dma semaphore(%run_scoped3A : memref<!tpu.dma_semaphore, #tpu.memory_space<semaphore_mem>>) src(%dma_wait3A_48 : memref<50000x16xf32, #tpu.memory_space<hbm>>) dst(%arg15 : memref<128x16xf32, #tpu.memory_space<vmem>>)
            tpu.yield
          }) : () -> ()
          "tpu.region"() ({
            %run_scoped3A = tpu.sem_alloc : memref<!tpu.dma_semaphore, #tpu.memory_space<semaphore_mem>>
            %dma_start3A = arith.constant 0 : i32
            %dma_start3A_39 = tpu.memref_slice %arg14[%add3A_38, %dma_start3A] : memref<196x128xi32, #tpu.memory_space<vmem>> -> memref<1x128xi32, #tpu.memory_space<vmem>>
            %dma_start3A_40 = tpu.memref_squeeze %dma_start3A_39 : memref<1x128xi32, #tpu.memory_space<vmem>> -> memref<128xi32, #tpu.memory_space<vmem>>
            %dma_start3A_41 = arith.constant 0 : i32
            %dma_start3A_42 = arith.constant 0 : i32
            %dma_start3A_43 = tpu.memref_slice %arg16[%dma_start3A_41, %dma_start3A_42] : memref<50176x16xf32, #tpu.memory_space<vmem_shared>> -> memref<50176x16xf32, #tpu.memory_space<vmem_shared>>
            tpu.enqueue_indirect_dma source(%arg15 : memref<128x16xf32, #tpu.memory_space<vmem>>) target(%dma_start3A_43 : memref<50176x16xf32, #tpu.memory_space<vmem_shared>>) offsets(%dma_start3A_40 : memref<128xi32, #tpu.memory_space<vmem>>) semaphore(%run_scoped3A : memref<!tpu.dma_semaphore, #tpu.memory_space<semaphore_mem>>) {add = true}
            %dma_wait3A = arith.constant 0 : i32
            %dma_wait3A_44 = tpu.memref_slice %arg14[%add3A_38, %dma_wait3A] : memref<196x128xi32, #tpu.memory_space<vmem>> -> memref<1x128xi32, #tpu.memory_space<vmem>>
            %dma_wait3A_45 = tpu.memref_squeeze %dma_wait3A_44 : memref<1x128xi32, #tpu.memory_space<vmem>> -> memref<128xi32, #tpu.memory_space<vmem>>
            %dma_wait3A_46 = arith.constant 0 : i32
            %dma_wait3A_47 = arith.constant 0 : i32
            %dma_wait3A_48 = tpu.memref_slice %arg16[%dma_wait3A_46, %dma_wait3A_47] : memref<50176x16xf32, #tpu.memory_space<vmem_shared>> -> memref<50176x16xf32, #tpu.memory_space<vmem_shared>>
            tpu.wait_indirect_dma semaphore(%run_scoped3A : memref<!tpu.dma_semaphore, #tpu.memory_space<semaphore_mem>>) src(%arg15 : memref<128x16xf32, #tpu.memory_space<vmem>>) dst(%dma_wait3A_48 : memref<50176x16xf32, #tpu.memory_space<vmem_shared>>)
            tpu.yield
          }) : () -> ()
        }
        %scan3A_33 = arith.constant 196 : i32
      }
      %scan3A_11 = arith.constant 2 : i32
      %barrier3A_12 = arith.constant 0 : index
      tpu.barrier barrier_id(%barrier3A_12)
      "tpu.region"() ({
        %run_scoped3A = tpu.sem_alloc : memref<!tpu.dma_semaphore, #tpu.memory_space<semaphore_mem>>
        %dma_start3A = arith.constant 0 : i32
        %dma_start3A_22 = tpu.memref_slice %arg9[%mul3A_0, %dma_start3A] : memref<50176x16xf32, #tpu.memory_space<hbm>> -> memref<3136x16xf32, #tpu.memory_space<hbm>>
        %dma_start3A_23 = arith.constant 0 : i32
        %dma_start3A_24 = tpu.memref_slice %arg16[%mul3A_0, %dma_start3A_23] : memref<50176x16xf32, #tpu.memory_space<vmem_shared>> -> memref<3136x16xf32, #tpu.memory_space<vmem_shared>>
        tpu.enqueue_dma source(%dma_start3A_24 : memref<3136x16xf32, #tpu.memory_space<vmem_shared>>) target(%dma_start3A_22 : memref<3136x16xf32, #tpu.memory_space<hbm>>) target_semaphore(%run_scoped3A : memref<!tpu.dma_semaphore, #tpu.memory_space<semaphore_mem>>)
        %dma_wait3A = arith.constant 0 : i32
        %dma_wait3A_25 = tpu.memref_slice %arg9[%mul3A_0, %dma_wait3A] : memref<50176x16xf32, #tpu.memory_space<hbm>> -> memref<3136x16xf32, #tpu.memory_space<hbm>>
        %dma_wait3A_26 = arith.constant 0 : i32
        %dma_wait3A_27 = tpu.memref_slice %arg16[%mul3A_0, %dma_wait3A_26] : memref<50176x16xf32, #tpu.memory_space<vmem_shared>> -> memref<3136x16xf32, #tpu.memory_space<vmem_shared>>
        tpu.wait_dma2 semaphore(%run_scoped3A : memref<!tpu.dma_semaphore, #tpu.memory_space<semaphore_mem>>) src(%dma_wait3A_27 : memref<3136x16xf32, #tpu.memory_space<vmem_shared>>) dst(%dma_wait3A_25 : memref<3136x16xf32, #tpu.memory_space<hbm>>)
        tpu.yield
      }) : () -> ()
      %barrier3A_13 = arith.constant 0 : index
      tpu.barrier barrier_id(%barrier3A_13)
      "tpu.region"() ({
        %run_scoped3A = tpu.sem_alloc : memref<!tpu.dma_semaphore, #tpu.memory_space<semaphore_mem>>
        %dma_start3A = arith.constant 0 : i32
        %dma_start3A_22 = tpu.memref_slice %arg16[%mul3A_0, %dma_start3A] : memref<50176x16xf32, #tpu.memory_space<vmem_shared>> -> memref<3136x16xf32, #tpu.memory_space<vmem_shared>>
        %dma_start3A_23 = arith.constant 0 : i32
        %dma_start3A_24 = tpu.memref_slice %arg8[%mul3A_0, %dma_start3A_23] : memref<50176x16xf32, #tpu.memory_space<hbm>> -> memref<3136x16xf32, #tpu.memory_space<hbm>>
        tpu.enqueue_dma source(%dma_start3A_24 : memref<3136x16xf32, #tpu.memory_space<hbm>>) target(%dma_start3A_22 : memref<3136x16xf32, #tpu.memory_space<vmem_shared>>) target_semaphore(%run_scoped3A : memref<!tpu.dma_semaphore, #tpu.memory_space<semaphore_mem>>)
        %dma_wait3A = arith.constant 0 : i32
        %dma_wait3A_25 = tpu.memref_slice %arg16[%mul3A_0, %dma_wait3A] : memref<50176x16xf32, #tpu.memory_space<vmem_shared>> -> memref<3136x16xf32, #tpu.memory_space<vmem_shared>>
        %dma_wait3A_26 = arith.constant 0 : i32
        %dma_wait3A_27 = tpu.memref_slice %arg8[%mul3A_0, %dma_wait3A_26] : memref<50176x16xf32, #tpu.memory_space<hbm>> -> memref<3136x16xf32, #tpu.memory_space<hbm>>
        tpu.wait_dma2 semaphore(%run_scoped3A : memref<!tpu.dma_semaphore, #tpu.memory_space<semaphore_mem>>) src(%dma_wait3A_27 : memref<3136x16xf32, #tpu.memory_space<hbm>>) dst(%dma_wait3A_25 : memref<3136x16xf32, #tpu.memory_space<vmem_shared>>)
        tpu.yield
      }) : () -> ()
      %barrier3A_14 = arith.constant 0 : index
      tpu.barrier barrier_id(%barrier3A_14)
      %scan3A_15 = arith.constant 0 : i32
      %scan3A_16 = arith.constant 2 : i32
      %scan3A_17 = arith.addi %scan3A_15, %scan3A_16 : i32
      %scan3A_18 = arith.constant 1 : i32
      scf.for %scan3A_22 = %scan3A_15 to %scan3A_17 step %scan3A_18  : i32 {
        %mul3A_23 = arith.constant 1 : i32
        %mul3A_24 = arith.muli %scan3A_22, %mul3A_23 : i32
        %add3A = arith.constant 0 : i32
        %add3A_25 = arith.addi %add3A, %mul3A_24 : i32
        %mul3A_26 = arith.constant 2 : i32
        %mul3A_27 = arith.muli %mul3A_26, %arg1 : i32
        %add3A_28 = arith.addi %mul3A_27, %add3A_25 : i32
        "tpu.region"() ({
          %run_scoped3A = tpu.sem_alloc : memref<!tpu.dma_semaphore, #tpu.memory_space<semaphore_mem>>
          %dma_start3A = arith.constant 0 : i32
          %dma_start3A_34 = arith.constant 0 : i32
          %dma_start3A_35 = tpu.memref_slice %arg2[%add3A_28, %dma_start3A, %dma_start3A_34] : memref<32x196x128xi32, #tpu.memory_space<hbm>> -> memref<1x196x128xi32, #tpu.memory_space<hbm>>
          %dma_start3A_36 = tpu.memref_squeeze %dma_start3A_35 : memref<1x196x128xi32, #tpu.memory_space<hbm>> -> memref<196x128xi32, #tpu.memory_space<hbm>>
          %dma_start3A_37 = arith.constant 0 : i32
          %dma_start3A_38 = arith.constant 0 : i32
          %dma_start3A_39 = tpu.memref_slice %arg2[%add3A_28, %dma_start3A_37, %dma_start3A_38] : memref<32x196x128xi32, #tpu.memory_space<hbm>> -> memref<1x196x128xi32, #tpu.memory_space<hbm>>
          %dma_start3A_40 = tpu.memref_squeeze %dma_start3A_39 : memref<1x196x128xi32, #tpu.memory_space<hbm>> -> memref<196x128xi32, #tpu.memory_space<hbm>>
          tpu.enqueue_dma source(%dma_start3A_40 : memref<196x128xi32, #tpu.memory_space<hbm>>) target(%arg13 : memref<196x128xi32, #tpu.memory_space<vmem>>) target_semaphore(%run_scoped3A : memref<!tpu.dma_semaphore, #tpu.memory_space<semaphore_mem>>)
          %dma_wait3A = arith.constant 0 : i32
          %dma_wait3A_41 = arith.constant 0 : i32
          %dma_wait3A_42 = tpu.memref_slice %arg2[%add3A_28, %dma_wait3A, %dma_wait3A_41] : memref<32x196x128xi32, #tpu.memory_space<hbm>> -> memref<1x196x128xi32, #tpu.memory_space<hbm>>
          %dma_wait3A_43 = tpu.memref_squeeze %dma_wait3A_42 : memref<1x196x128xi32, #tpu.memory_space<hbm>> -> memref<196x128xi32, #tpu.memory_space<hbm>>
          %dma_wait3A_44 = arith.constant 0 : i32
          %dma_wait3A_45 = arith.constant 0 : i32
          %dma_wait3A_46 = tpu.memref_slice %arg2[%add3A_28, %dma_wait3A_44, %dma_wait3A_45] : memref<32x196x128xi32, #tpu.memory_space<hbm>> -> memref<1x196x128xi32, #tpu.memory_space<hbm>>
          %dma_wait3A_47 = tpu.memref_squeeze %dma_wait3A_46 : memref<1x196x128xi32, #tpu.memory_space<hbm>> -> memref<196x128xi32, #tpu.memory_space<hbm>>
          tpu.wait_dma2 semaphore(%run_scoped3A : memref<!tpu.dma_semaphore, #tpu.memory_space<semaphore_mem>>) src(%dma_wait3A_47 : memref<196x128xi32, #tpu.memory_space<hbm>>) dst(%arg13 : memref<196x128xi32, #tpu.memory_space<vmem>>)
          tpu.yield
        }) : () -> ()
        "tpu.region"() ({
          %run_scoped3A = tpu.sem_alloc : memref<!tpu.dma_semaphore, #tpu.memory_space<semaphore_mem>>
          %dma_start3A = arith.constant 0 : i32
          %dma_start3A_34 = arith.constant 0 : i32
          %dma_start3A_35 = tpu.memref_slice %arg3[%add3A_28, %dma_start3A, %dma_start3A_34] : memref<32x196x128xi32, #tpu.memory_space<hbm>> -> memref<1x196x128xi32, #tpu.memory_space<hbm>>
          %dma_start3A_36 = tpu.memref_squeeze %dma_start3A_35 : memref<1x196x128xi32, #tpu.memory_space<hbm>> -> memref<196x128xi32, #tpu.memory_space<hbm>>
          %dma_start3A_37 = arith.constant 0 : i32
          %dma_start3A_38 = arith.constant 0 : i32
          %dma_start3A_39 = tpu.memref_slice %arg3[%add3A_28, %dma_start3A_37, %dma_start3A_38] : memref<32x196x128xi32, #tpu.memory_space<hbm>> -> memref<1x196x128xi32, #tpu.memory_space<hbm>>
          %dma_start3A_40 = tpu.memref_squeeze %dma_start3A_39 : memref<1x196x128xi32, #tpu.memory_space<hbm>> -> memref<196x128xi32, #tpu.memory_space<hbm>>
          tpu.enqueue_dma source(%dma_start3A_40 : memref<196x128xi32, #tpu.memory_space<hbm>>) target(%arg14 : memref<196x128xi32, #tpu.memory_space<vmem>>) target_semaphore(%run_scoped3A : memref<!tpu.dma_semaphore, #tpu.memory_space<semaphore_mem>>)
          %dma_wait3A = arith.constant 0 : i32
          %dma_wait3A_41 = arith.constant 0 : i32
          %dma_wait3A_42 = tpu.memref_slice %arg3[%add3A_28, %dma_wait3A, %dma_wait3A_41] : memref<32x196x128xi32, #tpu.memory_space<hbm>> -> memref<1x196x128xi32, #tpu.memory_space<hbm>>
          %dma_wait3A_43 = tpu.memref_squeeze %dma_wait3A_42 : memref<1x196x128xi32, #tpu.memory_space<hbm>> -> memref<196x128xi32, #tpu.memory_space<hbm>>
          %dma_wait3A_44 = arith.constant 0 : i32
          %dma_wait3A_45 = arith.constant 0 : i32
          %dma_wait3A_46 = tpu.memref_slice %arg3[%add3A_28, %dma_wait3A_44, %dma_wait3A_45] : memref<32x196x128xi32, #tpu.memory_space<hbm>> -> memref<1x196x128xi32, #tpu.memory_space<hbm>>
          %dma_wait3A_47 = tpu.memref_squeeze %dma_wait3A_46 : memref<1x196x128xi32, #tpu.memory_space<hbm>> -> memref<196x128xi32, #tpu.memory_space<hbm>>
          tpu.wait_dma2 semaphore(%run_scoped3A : memref<!tpu.dma_semaphore, #tpu.memory_space<semaphore_mem>>) src(%dma_wait3A_47 : memref<196x128xi32, #tpu.memory_space<hbm>>) dst(%arg14 : memref<196x128xi32, #tpu.memory_space<vmem>>)
          tpu.yield
        }) : () -> ()
        %scan3A_29 = arith.constant 0 : i32
        %scan3A_30 = arith.constant 196 : i32
        %scan3A_31 = arith.addi %scan3A_29, %scan3A_30 : i32
        %scan3A_32 = arith.constant 1 : i32
        scf.for %scan3A_34 = %scan3A_29 to %scan3A_31 step %scan3A_32  : i32 {
          %mul3A_35 = arith.constant 1 : i32
          %mul3A_36 = arith.muli %scan3A_34, %mul3A_35 : i32
          %add3A_37 = arith.constant 0 : i32
          %add3A_38 = arith.addi %add3A_37, %mul3A_36 : i32
          "tpu.region"() ({
            %run_scoped3A = tpu.sem_alloc : memref<!tpu.dma_semaphore, #tpu.memory_space<semaphore_mem>>
            %dma_start3A = arith.constant 0 : i32
            %dma_start3A_39 = tpu.memref_slice %arg13[%add3A_38, %dma_start3A] : memref<196x128xi32, #tpu.memory_space<vmem>> -> memref<1x128xi32, #tpu.memory_space<vmem>>
            %dma_start3A_40 = tpu.memref_squeeze %dma_start3A_39 : memref<1x128xi32, #tpu.memory_space<vmem>> -> memref<128xi32, #tpu.memory_space<vmem>>
            %dma_start3A_41 = arith.constant 0 : i32
            %dma_start3A_42 = arith.constant 0 : i32
            %dma_start3A_43 = tpu.memref_slice %arg5[%dma_start3A_41, %dma_start3A_42] : memref<50000x16xf32, #tpu.memory_space<hbm>> -> memref<50000x16xf32, #tpu.memory_space<hbm>>
            tpu.enqueue_indirect_dma source(%dma_start3A_43 : memref<50000x16xf32, #tpu.memory_space<hbm>>) target(%arg15 : memref<128x16xf32, #tpu.memory_space<vmem>>) offsets(%dma_start3A_40 : memref<128xi32, #tpu.memory_space<vmem>>) semaphore(%run_scoped3A : memref<!tpu.dma_semaphore, #tpu.memory_space<semaphore_mem>>)
            %dma_wait3A = arith.constant 0 : i32
            %dma_wait3A_44 = tpu.memref_slice %arg13[%add3A_38, %dma_wait3A] : memref<196x128xi32, #tpu.memory_space<vmem>> -> memref<1x128xi32, #tpu.memory_space<vmem>>
            %dma_wait3A_45 = tpu.memref_squeeze %dma_wait3A_44 : memref<1x128xi32, #tpu.memory_space<vmem>> -> memref<128xi32, #tpu.memory_space<vmem>>
            %dma_wait3A_46 = arith.constant 0 : i32
            %dma_wait3A_47 = arith.constant 0 : i32
            %dma_wait3A_48 = tpu.memref_slice %arg5[%dma_wait3A_46, %dma_wait3A_47] : memref<50000x16xf32, #tpu.memory_space<hbm>> -> memref<50000x16xf32, #tpu.memory_space<hbm>>
            tpu.wait_indirect_dma semaphore(%run_scoped3A : memref<!tpu.dma_semaphore, #tpu.memory_space<semaphore_mem>>) src(%dma_wait3A_48 : memref<50000x16xf32, #tpu.memory_space<hbm>>) dst(%arg15 : memref<128x16xf32, #tpu.memory_space<vmem>>)
            tpu.yield
          }) : () -> ()
          "tpu.region"() ({
            %run_scoped3A = tpu.sem_alloc : memref<!tpu.dma_semaphore, #tpu.memory_space<semaphore_mem>>
            %dma_start3A = arith.constant 0 : i32
            %dma_start3A_39 = tpu.memref_slice %arg14[%add3A_38, %dma_start3A] : memref<196x128xi32, #tpu.memory_space<vmem>> -> memref<1x128xi32, #tpu.memory_space<vmem>>
            %dma_start3A_40 = tpu.memref_squeeze %dma_start3A_39 : memref<1x128xi32, #tpu.memory_space<vmem>> -> memref<128xi32, #tpu.memory_space<vmem>>
            %dma_start3A_41 = arith.constant 0 : i32
            %dma_start3A_42 = arith.constant 0 : i32
            %dma_start3A_43 = tpu.memref_slice %arg16[%dma_start3A_41, %dma_start3A_42] : memref<50176x16xf32, #tpu.memory_space<vmem_shared>> -> memref<50176x16xf32, #tpu.memory_space<vmem_shared>>
            tpu.enqueue_indirect_dma source(%arg15 : memref<128x16xf32, #tpu.memory_space<vmem>>) target(%dma_start3A_43 : memref<50176x16xf32, #tpu.memory_space<vmem_shared>>) offsets(%dma_start3A_40 : memref<128xi32, #tpu.memory_space<vmem>>) semaphore(%run_scoped3A : memref<!tpu.dma_semaphore, #tpu.memory_space<semaphore_mem>>) {add = true}
            %dma_wait3A = arith.constant 0 : i32
            %dma_wait3A_44 = tpu.memref_slice %arg14[%add3A_38, %dma_wait3A] : memref<196x128xi32, #tpu.memory_space<vmem>> -> memref<1x128xi32, #tpu.memory_space<vmem>>
            %dma_wait3A_45 = tpu.memref_squeeze %dma_wait3A_44 : memref<1x128xi32, #tpu.memory_space<vmem>> -> memref<128xi32, #tpu.memory_space<vmem>>
            %dma_wait3A_46 = arith.constant 0 : i32
            %dma_wait3A_47 = arith.constant 0 : i32
            %dma_wait3A_48 = tpu.memref_slice %arg16[%dma_wait3A_46, %dma_wait3A_47] : memref<50176x16xf32, #tpu.memory_space<vmem_shared>> -> memref<50176x16xf32, #tpu.memory_space<vmem_shared>>
            tpu.wait_indirect_dma semaphore(%run_scoped3A : memref<!tpu.dma_semaphore, #tpu.memory_space<semaphore_mem>>) src(%arg15 : memref<128x16xf32, #tpu.memory_space<vmem>>) dst(%dma_wait3A_48 : memref<50176x16xf32, #tpu.memory_space<vmem_shared>>)
            tpu.yield
          }) : () -> ()
        }
        %scan3A_33 = arith.constant 196 : i32
      }
      %scan3A_19 = arith.constant 2 : i32
      %barrier3A_20 = arith.constant 0 : index
      tpu.barrier barrier_id(%barrier3A_20)
      "tpu.region"() ({
        %run_scoped3A = tpu.sem_alloc : memref<!tpu.dma_semaphore, #tpu.memory_space<semaphore_mem>>
        %dma_start3A = arith.constant 0 : i32
        %dma_start3A_22 = tpu.memref_slice %arg10[%mul3A_0, %dma_start3A] : memref<50176x16xf32, #tpu.memory_space<hbm>> -> memref<3136x16xf32, #tpu.memory_space<hbm>>
        %dma_start3A_23 = arith.constant 0 : i32
        %dma_start3A_24 = tpu.memref_slice %arg16[%mul3A_0, %dma_start3A_23] : memref<50176x16xf32, #tpu.memory_space<vmem_shared>> -> memref<3136x16xf32, #tpu.memory_space<vmem_shared>>
        tpu.enqueue_dma source(%dma_start3A_24 : memref<3136x16xf32, #tpu.memory_space<vmem_shared>>) target(%dma_start3A_22 : memref<3136x16xf32, #tpu.memory_space<hbm>>) target_semaphore(%run_scoped3A : memref<!tpu.dma_semaphore, #tpu.memory_space<semaphore_mem>>)
        %dma_wait3A = arith.constant 0 : i32
        %dma_wait3A_25 = tpu.memref_slice %arg10[%mul3A_0, %dma_wait3A] : memref<50176x16xf32, #tpu.memory_space<hbm>> -> memref<3136x16xf32, #tpu.memory_space<hbm>>
        %dma_wait3A_26 = arith.constant 0 : i32
        %dma_wait3A_27 = tpu.memref_slice %arg16[%mul3A_0, %dma_wait3A_26] : memref<50176x16xf32, #tpu.memory_space<vmem_shared>> -> memref<3136x16xf32, #tpu.memory_space<vmem_shared>>
        tpu.wait_dma2 semaphore(%run_scoped3A : memref<!tpu.dma_semaphore, #tpu.memory_space<semaphore_mem>>) src(%dma_wait3A_27 : memref<3136x16xf32, #tpu.memory_space<vmem_shared>>) dst(%dma_wait3A_25 : memref<3136x16xf32, #tpu.memory_space<hbm>>)
        tpu.yield
      }) : () -> ()
      %barrier3A_21 = arith.constant 0 : index
      tpu.barrier barrier_id(%barrier3A_21)
    } else {
    }
    %eq3A_3 = arith.constant 1 : i32
    %eq3A_4 = arith.cmpi eq, %arg0, %eq3A_3 : i32
    %convert_element_type3A_5 = arith.extui %eq3A_4 : i1 to i32
    %cond3A_6 = arith.constant 0 : i32
    %cond3A_7 = arith.cmpi ne, %convert_element_type3A_5, %cond3A_6 : i32
    scf.if %cond3A_7 {
      "tpu.region"() ({
        %run_scoped3A = tpu.sem_alloc : memref<!tpu.dma_semaphore, #tpu.memory_space<semaphore_mem>>
        %dma_start3A = arith.constant 0 : i32
        %dma_start3A_22 = tpu.memref_slice %arg16[%mul3A_0, %dma_start3A] : memref<50176x16xf32, #tpu.memory_space<vmem_shared>> -> memref<3136x16xf32, #tpu.memory_space<vmem_shared>>
        %dma_start3A_23 = arith.constant 0 : i32
        %dma_start3A_24 = tpu.memref_slice %arg8[%mul3A_0, %dma_start3A_23] : memref<50176x16xf32, #tpu.memory_space<hbm>> -> memref<3136x16xf32, #tpu.memory_space<hbm>>
        tpu.enqueue_dma source(%dma_start3A_24 : memref<3136x16xf32, #tpu.memory_space<hbm>>) target(%dma_start3A_22 : memref<3136x16xf32, #tpu.memory_space<vmem_shared>>) target_semaphore(%run_scoped3A : memref<!tpu.dma_semaphore, #tpu.memory_space<semaphore_mem>>)
        %dma_wait3A = arith.constant 0 : i32
        %dma_wait3A_25 = tpu.memref_slice %arg16[%mul3A_0, %dma_wait3A] : memref<50176x16xf32, #tpu.memory_space<vmem_shared>> -> memref<3136x16xf32, #tpu.memory_space<vmem_shared>>
        %dma_wait3A_26 = arith.constant 0 : i32
        %dma_wait3A_27 = tpu.memref_slice %arg8[%mul3A_0, %dma_wait3A_26] : memref<50176x16xf32, #tpu.memory_space<hbm>> -> memref<3136x16xf32, #tpu.memory_space<hbm>>
        tpu.wait_dma2 semaphore(%run_scoped3A : memref<!tpu.dma_semaphore, #tpu.memory_space<semaphore_mem>>) src(%dma_wait3A_27 : memref<3136x16xf32, #tpu.memory_space<hbm>>) dst(%dma_wait3A_25 : memref<3136x16xf32, #tpu.memory_space<vmem_shared>>)
        tpu.yield
      }) : () -> ()
      %barrier3A = arith.constant 0 : index
      tpu.barrier barrier_id(%barrier3A)
      %scan3A = arith.constant 0 : i32
      %scan3A_8 = arith.constant 2 : i32
      %scan3A_9 = arith.addi %scan3A, %scan3A_8 : i32
      %scan3A_10 = arith.constant 1 : i32
      scf.for %scan3A_22 = %scan3A to %scan3A_9 step %scan3A_10  : i32 {
        %mul3A_23 = arith.constant 1 : i32
        %mul3A_24 = arith.muli %scan3A_22, %mul3A_23 : i32
        %add3A = arith.constant 0 : i32
        %add3A_25 = arith.addi %add3A, %mul3A_24 : i32
        %mul3A_26 = arith.constant 2 : i32
        %mul3A_27 = arith.muli %mul3A_26, %arg1 : i32
        %add3A_28 = arith.addi %mul3A_27, %add3A_25 : i32
        "tpu.region"() ({
          %run_scoped3A = tpu.sem_alloc : memref<!tpu.dma_semaphore, #tpu.memory_space<semaphore_mem>>
          %dma_start3A = arith.constant 0 : i32
          %dma_start3A_34 = arith.constant 0 : i32
          %dma_start3A_35 = tpu.memref_slice %arg2[%add3A_28, %dma_start3A, %dma_start3A_34] : memref<32x196x128xi32, #tpu.memory_space<hbm>> -> memref<1x196x128xi32, #tpu.memory_space<hbm>>
          %dma_start3A_36 = tpu.memref_squeeze %dma_start3A_35 : memref<1x196x128xi32, #tpu.memory_space<hbm>> -> memref<196x128xi32, #tpu.memory_space<hbm>>
          %dma_start3A_37 = arith.constant 0 : i32
          %dma_start3A_38 = arith.constant 0 : i32
          %dma_start3A_39 = tpu.memref_slice %arg2[%add3A_28, %dma_start3A_37, %dma_start3A_38] : memref<32x196x128xi32, #tpu.memory_space<hbm>> -> memref<1x196x128xi32, #tpu.memory_space<hbm>>
          %dma_start3A_40 = tpu.memref_squeeze %dma_start3A_39 : memref<1x196x128xi32, #tpu.memory_space<hbm>> -> memref<196x128xi32, #tpu.memory_space<hbm>>
          tpu.enqueue_dma source(%dma_start3A_40 : memref<196x128xi32, #tpu.memory_space<hbm>>) target(%arg13 : memref<196x128xi32, #tpu.memory_space<vmem>>) target_semaphore(%run_scoped3A : memref<!tpu.dma_semaphore, #tpu.memory_space<semaphore_mem>>)
          %dma_wait3A = arith.constant 0 : i32
          %dma_wait3A_41 = arith.constant 0 : i32
          %dma_wait3A_42 = tpu.memref_slice %arg2[%add3A_28, %dma_wait3A, %dma_wait3A_41] : memref<32x196x128xi32, #tpu.memory_space<hbm>> -> memref<1x196x128xi32, #tpu.memory_space<hbm>>
          %dma_wait3A_43 = tpu.memref_squeeze %dma_wait3A_42 : memref<1x196x128xi32, #tpu.memory_space<hbm>> -> memref<196x128xi32, #tpu.memory_space<hbm>>
          %dma_wait3A_44 = arith.constant 0 : i32
          %dma_wait3A_45 = arith.constant 0 : i32
          %dma_wait3A_46 = tpu.memref_slice %arg2[%add3A_28, %dma_wait3A_44, %dma_wait3A_45] : memref<32x196x128xi32, #tpu.memory_space<hbm>> -> memref<1x196x128xi32, #tpu.memory_space<hbm>>
          %dma_wait3A_47 = tpu.memref_squeeze %dma_wait3A_46 : memref<1x196x128xi32, #tpu.memory_space<hbm>> -> memref<196x128xi32, #tpu.memory_space<hbm>>
          tpu.wait_dma2 semaphore(%run_scoped3A : memref<!tpu.dma_semaphore, #tpu.memory_space<semaphore_mem>>) src(%dma_wait3A_47 : memref<196x128xi32, #tpu.memory_space<hbm>>) dst(%arg13 : memref<196x128xi32, #tpu.memory_space<vmem>>)
          tpu.yield
        }) : () -> ()
        "tpu.region"() ({
          %run_scoped3A = tpu.sem_alloc : memref<!tpu.dma_semaphore, #tpu.memory_space<semaphore_mem>>
          %dma_start3A = arith.constant 0 : i32
          %dma_start3A_34 = arith.constant 0 : i32
          %dma_start3A_35 = tpu.memref_slice %arg3[%add3A_28, %dma_start3A, %dma_start3A_34] : memref<32x196x128xi32, #tpu.memory_space<hbm>> -> memref<1x196x128xi32, #tpu.memory_space<hbm>>
          %dma_start3A_36 = tpu.memref_squeeze %dma_start3A_35 : memref<1x196x128xi32, #tpu.memory_space<hbm>> -> memref<196x128xi32, #tpu.memory_space<hbm>>
          %dma_start3A_37 = arith.constant 0 : i32
          %dma_start3A_38 = arith.constant 0 : i32
          %dma_start3A_39 = tpu.memref_slice %arg3[%add3A_28, %dma_start3A_37, %dma_start3A_38] : memref<32x196x128xi32, #tpu.memory_space<hbm>> -> memref<1x196x128xi32, #tpu.memory_space<hbm>>
          %dma_start3A_40 = tpu.memref_squeeze %dma_start3A_39 : memref<1x196x128xi32, #tpu.memory_space<hbm>> -> memref<196x128xi32, #tpu.memory_space<hbm>>
          tpu.enqueue_dma source(%dma_start3A_40 : memref<196x128xi32, #tpu.memory_space<hbm>>) target(%arg14 : memref<196x128xi32, #tpu.memory_space<vmem>>) target_semaphore(%run_scoped3A : memref<!tpu.dma_semaphore, #tpu.memory_space<semaphore_mem>>)
          %dma_wait3A = arith.constant 0 : i32
          %dma_wait3A_41 = arith.constant 0 : i32
          %dma_wait3A_42 = tpu.memref_slice %arg3[%add3A_28, %dma_wait3A, %dma_wait3A_41] : memref<32x196x128xi32, #tpu.memory_space<hbm>> -> memref<1x196x128xi32, #tpu.memory_space<hbm>>
          %dma_wait3A_43 = tpu.memref_squeeze %dma_wait3A_42 : memref<1x196x128xi32, #tpu.memory_space<hbm>> -> memref<196x128xi32, #tpu.memory_space<hbm>>
          %dma_wait3A_44 = arith.constant 0 : i32
          %dma_wait3A_45 = arith.constant 0 : i32
          %dma_wait3A_46 = tpu.memref_slice %arg3[%add3A_28, %dma_wait3A_44, %dma_wait3A_45] : memref<32x196x128xi32, #tpu.memory_space<hbm>> -> memref<1x196x128xi32, #tpu.memory_space<hbm>>
          %dma_wait3A_47 = tpu.memref_squeeze %dma_wait3A_46 : memref<1x196x128xi32, #tpu.memory_space<hbm>> -> memref<196x128xi32, #tpu.memory_space<hbm>>
          tpu.wait_dma2 semaphore(%run_scoped3A : memref<!tpu.dma_semaphore, #tpu.memory_space<semaphore_mem>>) src(%dma_wait3A_47 : memref<196x128xi32, #tpu.memory_space<hbm>>) dst(%arg14 : memref<196x128xi32, #tpu.memory_space<vmem>>)
          tpu.yield
        }) : () -> ()
        %scan3A_29 = arith.constant 0 : i32
        %scan3A_30 = arith.constant 196 : i32
        %scan3A_31 = arith.addi %scan3A_29, %scan3A_30 : i32
        %scan3A_32 = arith.constant 1 : i32
        scf.for %scan3A_34 = %scan3A_29 to %scan3A_31 step %scan3A_32  : i32 {
          %mul3A_35 = arith.constant 1 : i32
          %mul3A_36 = arith.muli %scan3A_34, %mul3A_35 : i32
          %add3A_37 = arith.constant 0 : i32
          %add3A_38 = arith.addi %add3A_37, %mul3A_36 : i32
          "tpu.region"() ({
            %run_scoped3A = tpu.sem_alloc : memref<!tpu.dma_semaphore, #tpu.memory_space<semaphore_mem>>
            %dma_start3A = arith.constant 0 : i32
            %dma_start3A_39 = tpu.memref_slice %arg13[%add3A_38, %dma_start3A] : memref<196x128xi32, #tpu.memory_space<vmem>> -> memref<1x128xi32, #tpu.memory_space<vmem>>
            %dma_start3A_40 = tpu.memref_squeeze %dma_start3A_39 : memref<1x128xi32, #tpu.memory_space<vmem>> -> memref<128xi32, #tpu.memory_space<vmem>>
            %dma_start3A_41 = arith.constant 0 : i32
            %dma_start3A_42 = arith.constant 0 : i32
            %dma_start3A_43 = tpu.memref_slice %arg6[%dma_start3A_41, %dma_start3A_42] : memref<50000x16xf32, #tpu.memory_space<hbm>> -> memref<50000x16xf32, #tpu.memory_space<hbm>>
            tpu.enqueue_indirect_dma source(%dma_start3A_43 : memref<50000x16xf32, #tpu.memory_space<hbm>>) target(%arg15 : memref<128x16xf32, #tpu.memory_space<vmem>>) offsets(%dma_start3A_40 : memref<128xi32, #tpu.memory_space<vmem>>) semaphore(%run_scoped3A : memref<!tpu.dma_semaphore, #tpu.memory_space<semaphore_mem>>)
            %dma_wait3A = arith.constant 0 : i32
            %dma_wait3A_44 = tpu.memref_slice %arg13[%add3A_38, %dma_wait3A] : memref<196x128xi32, #tpu.memory_space<vmem>> -> memref<1x128xi32, #tpu.memory_space<vmem>>
            %dma_wait3A_45 = tpu.memref_squeeze %dma_wait3A_44 : memref<1x128xi32, #tpu.memory_space<vmem>> -> memref<128xi32, #tpu.memory_space<vmem>>
            %dma_wait3A_46 = arith.constant 0 : i32
            %dma_wait3A_47 = arith.constant 0 : i32
            %dma_wait3A_48 = tpu.memref_slice %arg6[%dma_wait3A_46, %dma_wait3A_47] : memref<50000x16xf32, #tpu.memory_space<hbm>> -> memref<50000x16xf32, #tpu.memory_space<hbm>>
            tpu.wait_indirect_dma semaphore(%run_scoped3A : memref<!tpu.dma_semaphore, #tpu.memory_space<semaphore_mem>>) src(%dma_wait3A_48 : memref<50000x16xf32, #tpu.memory_space<hbm>>) dst(%arg15 : memref<128x16xf32, #tpu.memory_space<vmem>>)
            tpu.yield
          }) : () -> ()
          "tpu.region"() ({
            %run_scoped3A = tpu.sem_alloc : memref<!tpu.dma_semaphore, #tpu.memory_space<semaphore_mem>>
            %dma_start3A = arith.constant 0 : i32
            %dma_start3A_39 = tpu.memref_slice %arg14[%add3A_38, %dma_start3A] : memref<196x128xi32, #tpu.memory_space<vmem>> -> memref<1x128xi32, #tpu.memory_space<vmem>>
            %dma_start3A_40 = tpu.memref_squeeze %dma_start3A_39 : memref<1x128xi32, #tpu.memory_space<vmem>> -> memref<128xi32, #tpu.memory_space<vmem>>
            %dma_start3A_41 = arith.constant 0 : i32
            %dma_start3A_42 = arith.constant 0 : i32
            %dma_start3A_43 = tpu.memref_slice %arg16[%dma_start3A_41, %dma_start3A_42] : memref<50176x16xf32, #tpu.memory_space<vmem_shared>> -> memref<50176x16xf32, #tpu.memory_space<vmem_shared>>
            tpu.enqueue_indirect_dma source(%arg15 : memref<128x16xf32, #tpu.memory_space<vmem>>) target(%dma_start3A_43 : memref<50176x16xf32, #tpu.memory_space<vmem_shared>>) offsets(%dma_start3A_40 : memref<128xi32, #tpu.memory_space<vmem>>) semaphore(%run_scoped3A : memref<!tpu.dma_semaphore, #tpu.memory_space<semaphore_mem>>) {add = true}
            %dma_wait3A = arith.constant 0 : i32
            %dma_wait3A_44 = tpu.memref_slice %arg14[%add3A_38, %dma_wait3A] : memref<196x128xi32, #tpu.memory_space<vmem>> -> memref<1x128xi32, #tpu.memory_space<vmem>>
            %dma_wait3A_45 = tpu.memref_squeeze %dma_wait3A_44 : memref<1x128xi32, #tpu.memory_space<vmem>> -> memref<128xi32, #tpu.memory_space<vmem>>
            %dma_wait3A_46 = arith.constant 0 : i32
            %dma_wait3A_47 = arith.constant 0 : i32
            %dma_wait3A_48 = tpu.memref_slice %arg16[%dma_wait3A_46, %dma_wait3A_47] : memref<50176x16xf32, #tpu.memory_space<vmem_shared>> -> memref<50176x16xf32, #tpu.memory_space<vmem_shared>>
            tpu.wait_indirect_dma semaphore(%run_scoped3A : memref<!tpu.dma_semaphore, #tpu.memory_space<semaphore_mem>>) src(%arg15 : memref<128x16xf32, #tpu.memory_space<vmem>>) dst(%dma_wait3A_48 : memref<50176x16xf32, #tpu.memory_space<vmem_shared>>)
            tpu.yield
          }) : () -> ()
        }
        %scan3A_33 = arith.constant 196 : i32
      }
      %scan3A_11 = arith.constant 2 : i32
      %barrier3A_12 = arith.constant 0 : index
      tpu.barrier barrier_id(%barrier3A_12)
      "tpu.region"() ({
        %run_scoped3A = tpu.sem_alloc : memref<!tpu.dma_semaphore, #tpu.memory_space<semaphore_mem>>
        %dma_start3A = arith.constant 0 : i32
        %dma_start3A_22 = tpu.memref_slice %arg11[%mul3A_0, %dma_start3A] : memref<50176x16xf32, #tpu.memory_space<hbm>> -> memref<3136x16xf32, #tpu.memory_space<hbm>>
        %dma_start3A_23 = arith.constant 0 : i32
        %dma_start3A_24 = tpu.memref_slice %arg16[%mul3A_0, %dma_start3A_23] : memref<50176x16xf32, #tpu.memory_space<vmem_shared>> -> memref<3136x16xf32, #tpu.memory_space<vmem_shared>>
        tpu.enqueue_dma source(%dma_start3A_24 : memref<3136x16xf32, #tpu.memory_space<vmem_shared>>) target(%dma_start3A_22 : memref<3136x16xf32, #tpu.memory_space<hbm>>) target_semaphore(%run_scoped3A : memref<!tpu.dma_semaphore, #tpu.memory_space<semaphore_mem>>)
        %dma_wait3A = arith.constant 0 : i32
        %dma_wait3A_25 = tpu.memref_slice %arg11[%mul3A_0, %dma_wait3A] : memref<50176x16xf32, #tpu.memory_space<hbm>> -> memref<3136x16xf32, #tpu.memory_space<hbm>>
        %dma_wait3A_26 = arith.constant 0 : i32
        %dma_wait3A_27 = tpu.memref_slice %arg16[%mul3A_0, %dma_wait3A_26] : memref<50176x16xf32, #tpu.memory_space<vmem_shared>> -> memref<3136x16xf32, #tpu.memory_space<vmem_shared>>
        tpu.wait_dma2 semaphore(%run_scoped3A : memref<!tpu.dma_semaphore, #tpu.memory_space<semaphore_mem>>) src(%dma_wait3A_27 : memref<3136x16xf32, #tpu.memory_space<vmem_shared>>) dst(%dma_wait3A_25 : memref<3136x16xf32, #tpu.memory_space<hbm>>)
        tpu.yield
      }) : () -> ()
      %barrier3A_13 = arith.constant 0 : index
      tpu.barrier barrier_id(%barrier3A_13)
      "tpu.region"() ({
        %run_scoped3A = tpu.sem_alloc : memref<!tpu.dma_semaphore, #tpu.memory_space<semaphore_mem>>
        %dma_start3A = arith.constant 0 : i32
        %dma_start3A_22 = tpu.memref_slice %arg16[%mul3A_0, %dma_start3A] : memref<50176x16xf32, #tpu.memory_space<vmem_shared>> -> memref<3136x16xf32, #tpu.memory_space<vmem_shared>>
        %dma_start3A_23 = arith.constant 0 : i32
        %dma_start3A_24 = tpu.memref_slice %arg8[%mul3A_0, %dma_start3A_23] : memref<50176x16xf32, #tpu.memory_space<hbm>> -> memref<3136x16xf32, #tpu.memory_space<hbm>>
        tpu.enqueue_dma source(%dma_start3A_24 : memref<3136x16xf32, #tpu.memory_space<hbm>>) target(%dma_start3A_22 : memref<3136x16xf32, #tpu.memory_space<vmem_shared>>) target_semaphore(%run_scoped3A : memref<!tpu.dma_semaphore, #tpu.memory_space<semaphore_mem>>)
        %dma_wait3A = arith.constant 0 : i32
        %dma_wait3A_25 = tpu.memref_slice %arg16[%mul3A_0, %dma_wait3A] : memref<50176x16xf32, #tpu.memory_space<vmem_shared>> -> memref<3136x16xf32, #tpu.memory_space<vmem_shared>>
        %dma_wait3A_26 = arith.constant 0 : i32
        %dma_wait3A_27 = tpu.memref_slice %arg8[%mul3A_0, %dma_wait3A_26] : memref<50176x16xf32, #tpu.memory_space<hbm>> -> memref<3136x16xf32, #tpu.memory_space<hbm>>
        tpu.wait_dma2 semaphore(%run_scoped3A : memref<!tpu.dma_semaphore, #tpu.memory_space<semaphore_mem>>) src(%dma_wait3A_27 : memref<3136x16xf32, #tpu.memory_space<hbm>>) dst(%dma_wait3A_25 : memref<3136x16xf32, #tpu.memory_space<vmem_shared>>)
        tpu.yield
      }) : () -> ()
      %barrier3A_14 = arith.constant 0 : index
      tpu.barrier barrier_id(%barrier3A_14)
      %scan3A_15 = arith.constant 0 : i32
      %scan3A_16 = arith.constant 2 : i32
      %scan3A_17 = arith.addi %scan3A_15, %scan3A_16 : i32
      %scan3A_18 = arith.constant 1 : i32
      scf.for %scan3A_22 = %scan3A_15 to %scan3A_17 step %scan3A_18  : i32 {
        %mul3A_23 = arith.constant 1 : i32
        %mul3A_24 = arith.muli %scan3A_22, %mul3A_23 : i32
        %add3A = arith.constant 0 : i32
        %add3A_25 = arith.addi %add3A, %mul3A_24 : i32
        %mul3A_26 = arith.constant 2 : i32
        %mul3A_27 = arith.muli %mul3A_26, %arg1 : i32
        %add3A_28 = arith.addi %mul3A_27, %add3A_25 : i32
        "tpu.region"() ({
          %run_scoped3A = tpu.sem_alloc : memref<!tpu.dma_semaphore, #tpu.memory_space<semaphore_mem>>
          %dma_start3A = arith.constant 0 : i32
          %dma_start3A_34 = arith.constant 0 : i32
          %dma_start3A_35 = tpu.memref_slice %arg2[%add3A_28, %dma_start3A, %dma_start3A_34] : memref<32x196x128xi32, #tpu.memory_space<hbm>> -> memref<1x196x128xi32, #tpu.memory_space<hbm>>
          %dma_start3A_36 = tpu.memref_squeeze %dma_start3A_35 : memref<1x196x128xi32, #tpu.memory_space<hbm>> -> memref<196x128xi32, #tpu.memory_space<hbm>>
          %dma_start3A_37 = arith.constant 0 : i32
          %dma_start3A_38 = arith.constant 0 : i32
          %dma_start3A_39 = tpu.memref_slice %arg2[%add3A_28, %dma_start3A_37, %dma_start3A_38] : memref<32x196x128xi32, #tpu.memory_space<hbm>> -> memref<1x196x128xi32, #tpu.memory_space<hbm>>
          %dma_start3A_40 = tpu.memref_squeeze %dma_start3A_39 : memref<1x196x128xi32, #tpu.memory_space<hbm>> -> memref<196x128xi32, #tpu.memory_space<hbm>>
          tpu.enqueue_dma source(%dma_start3A_40 : memref<196x128xi32, #tpu.memory_space<hbm>>) target(%arg13 : memref<196x128xi32, #tpu.memory_space<vmem>>) target_semaphore(%run_scoped3A : memref<!tpu.dma_semaphore, #tpu.memory_space<semaphore_mem>>)
          %dma_wait3A = arith.constant 0 : i32
          %dma_wait3A_41 = arith.constant 0 : i32
          %dma_wait3A_42 = tpu.memref_slice %arg2[%add3A_28, %dma_wait3A, %dma_wait3A_41] : memref<32x196x128xi32, #tpu.memory_space<hbm>> -> memref<1x196x128xi32, #tpu.memory_space<hbm>>
          %dma_wait3A_43 = tpu.memref_squeeze %dma_wait3A_42 : memref<1x196x128xi32, #tpu.memory_space<hbm>> -> memref<196x128xi32, #tpu.memory_space<hbm>>
          %dma_wait3A_44 = arith.constant 0 : i32
          %dma_wait3A_45 = arith.constant 0 : i32
          %dma_wait3A_46 = tpu.memref_slice %arg2[%add3A_28, %dma_wait3A_44, %dma_wait3A_45] : memref<32x196x128xi32, #tpu.memory_space<hbm>> -> memref<1x196x128xi32, #tpu.memory_space<hbm>>
          %dma_wait3A_47 = tpu.memref_squeeze %dma_wait3A_46 : memref<1x196x128xi32, #tpu.memory_space<hbm>> -> memref<196x128xi32, #tpu.memory_space<hbm>>
          tpu.wait_dma2 semaphore(%run_scoped3A : memref<!tpu.dma_semaphore, #tpu.memory_space<semaphore_mem>>) src(%dma_wait3A_47 : memref<196x128xi32, #tpu.memory_space<hbm>>) dst(%arg13 : memref<196x128xi32, #tpu.memory_space<vmem>>)
          tpu.yield
        }) : () -> ()
        "tpu.region"() ({
          %run_scoped3A = tpu.sem_alloc : memref<!tpu.dma_semaphore, #tpu.memory_space<semaphore_mem>>
          %dma_start3A = arith.constant 0 : i32
          %dma_start3A_34 = arith.constant 0 : i32
          %dma_start3A_35 = tpu.memref_slice %arg3[%add3A_28, %dma_start3A, %dma_start3A_34] : memref<32x196x128xi32, #tpu.memory_space<hbm>> -> memref<1x196x128xi32, #tpu.memory_space<hbm>>
          %dma_start3A_36 = tpu.memref_squeeze %dma_start3A_35 : memref<1x196x128xi32, #tpu.memory_space<hbm>> -> memref<196x128xi32, #tpu.memory_space<hbm>>
          %dma_start3A_37 = arith.constant 0 : i32
          %dma_start3A_38 = arith.constant 0 : i32
          %dma_start3A_39 = tpu.memref_slice %arg3[%add3A_28, %dma_start3A_37, %dma_start3A_38] : memref<32x196x128xi32, #tpu.memory_space<hbm>> -> memref<1x196x128xi32, #tpu.memory_space<hbm>>
          %dma_start3A_40 = tpu.memref_squeeze %dma_start3A_39 : memref<1x196x128xi32, #tpu.memory_space<hbm>> -> memref<196x128xi32, #tpu.memory_space<hbm>>
          tpu.enqueue_dma source(%dma_start3A_40 : memref<196x128xi32, #tpu.memory_space<hbm>>) target(%arg14 : memref<196x128xi32, #tpu.memory_space<vmem>>) target_semaphore(%run_scoped3A : memref<!tpu.dma_semaphore, #tpu.memory_space<semaphore_mem>>)
          %dma_wait3A = arith.constant 0 : i32
          %dma_wait3A_41 = arith.constant 0 : i32
          %dma_wait3A_42 = tpu.memref_slice %arg3[%add3A_28, %dma_wait3A, %dma_wait3A_41] : memref<32x196x128xi32, #tpu.memory_space<hbm>> -> memref<1x196x128xi32, #tpu.memory_space<hbm>>
          %dma_wait3A_43 = tpu.memref_squeeze %dma_wait3A_42 : memref<1x196x128xi32, #tpu.memory_space<hbm>> -> memref<196x128xi32, #tpu.memory_space<hbm>>
          %dma_wait3A_44 = arith.constant 0 : i32
          %dma_wait3A_45 = arith.constant 0 : i32
          %dma_wait3A_46 = tpu.memref_slice %arg3[%add3A_28, %dma_wait3A_44, %dma_wait3A_45] : memref<32x196x128xi32, #tpu.memory_space<hbm>> -> memref<1x196x128xi32, #tpu.memory_space<hbm>>
          %dma_wait3A_47 = tpu.memref_squeeze %dma_wait3A_46 : memref<1x196x128xi32, #tpu.memory_space<hbm>> -> memref<196x128xi32, #tpu.memory_space<hbm>>
          tpu.wait_dma2 semaphore(%run_scoped3A : memref<!tpu.dma_semaphore, #tpu.memory_space<semaphore_mem>>) src(%dma_wait3A_47 : memref<196x128xi32, #tpu.memory_space<hbm>>) dst(%arg14 : memref<196x128xi32, #tpu.memory_space<vmem>>)
          tpu.yield
        }) : () -> ()
        %scan3A_29 = arith.constant 0 : i32
        %scan3A_30 = arith.constant 196 : i32
        %scan3A_31 = arith.addi %scan3A_29, %scan3A_30 : i32
        %scan3A_32 = arith.constant 1 : i32
        scf.for %scan3A_34 = %scan3A_29 to %scan3A_31 step %scan3A_32  : i32 {
          %mul3A_35 = arith.constant 1 : i32
          %mul3A_36 = arith.muli %scan3A_34, %mul3A_35 : i32
          %add3A_37 = arith.constant 0 : i32
          %add3A_38 = arith.addi %add3A_37, %mul3A_36 : i32
          "tpu.region"() ({
            %run_scoped3A = tpu.sem_alloc : memref<!tpu.dma_semaphore, #tpu.memory_space<semaphore_mem>>
            %dma_start3A = arith.constant 0 : i32
            %dma_start3A_39 = tpu.memref_slice %arg13[%add3A_38, %dma_start3A] : memref<196x128xi32, #tpu.memory_space<vmem>> -> memref<1x128xi32, #tpu.memory_space<vmem>>
            %dma_start3A_40 = tpu.memref_squeeze %dma_start3A_39 : memref<1x128xi32, #tpu.memory_space<vmem>> -> memref<128xi32, #tpu.memory_space<vmem>>
            %dma_start3A_41 = arith.constant 0 : i32
            %dma_start3A_42 = arith.constant 0 : i32
            %dma_start3A_43 = tpu.memref_slice %arg7[%dma_start3A_41, %dma_start3A_42] : memref<50000x16xf32, #tpu.memory_space<hbm>> -> memref<50000x16xf32, #tpu.memory_space<hbm>>
            tpu.enqueue_indirect_dma source(%dma_start3A_43 : memref<50000x16xf32, #tpu.memory_space<hbm>>) target(%arg15 : memref<128x16xf32, #tpu.memory_space<vmem>>) offsets(%dma_start3A_40 : memref<128xi32, #tpu.memory_space<vmem>>) semaphore(%run_scoped3A : memref<!tpu.dma_semaphore, #tpu.memory_space<semaphore_mem>>)
            %dma_wait3A = arith.constant 0 : i32
            %dma_wait3A_44 = tpu.memref_slice %arg13[%add3A_38, %dma_wait3A] : memref<196x128xi32, #tpu.memory_space<vmem>> -> memref<1x128xi32, #tpu.memory_space<vmem>>
            %dma_wait3A_45 = tpu.memref_squeeze %dma_wait3A_44 : memref<1x128xi32, #tpu.memory_space<vmem>> -> memref<128xi32, #tpu.memory_space<vmem>>
            %dma_wait3A_46 = arith.constant 0 : i32
            %dma_wait3A_47 = arith.constant 0 : i32
            %dma_wait3A_48 = tpu.memref_slice %arg7[%dma_wait3A_46, %dma_wait3A_47] : memref<50000x16xf32, #tpu.memory_space<hbm>> -> memref<50000x16xf32, #tpu.memory_space<hbm>>
            tpu.wait_indirect_dma semaphore(%run_scoped3A : memref<!tpu.dma_semaphore, #tpu.memory_space<semaphore_mem>>) src(%dma_wait3A_48 : memref<50000x16xf32, #tpu.memory_space<hbm>>) dst(%arg15 : memref<128x16xf32, #tpu.memory_space<vmem>>)
            tpu.yield
          }) : () -> ()
          "tpu.region"() ({
            %run_scoped3A = tpu.sem_alloc : memref<!tpu.dma_semaphore, #tpu.memory_space<semaphore_mem>>
            %dma_start3A = arith.constant 0 : i32
            %dma_start3A_39 = tpu.memref_slice %arg14[%add3A_38, %dma_start3A] : memref<196x128xi32, #tpu.memory_space<vmem>> -> memref<1x128xi32, #tpu.memory_space<vmem>>
            %dma_start3A_40 = tpu.memref_squeeze %dma_start3A_39 : memref<1x128xi32, #tpu.memory_space<vmem>> -> memref<128xi32, #tpu.memory_space<vmem>>
            %dma_start3A_41 = arith.constant 0 : i32
            %dma_start3A_42 = arith.constant 0 : i32
            %dma_start3A_43 = tpu.memref_slice %arg16[%dma_start3A_41, %dma_start3A_42] : memref<50176x16xf32, #tpu.memory_space<vmem_shared>> -> memref<50176x16xf32, #tpu.memory_space<vmem_shared>>
            tpu.enqueue_indirect_dma source(%arg15 : memref<128x16xf32, #tpu.memory_space<vmem>>) target(%dma_start3A_43 : memref<50176x16xf32, #tpu.memory_space<vmem_shared>>) offsets(%dma_start3A_40 : memref<128xi32, #tpu.memory_space<vmem>>) semaphore(%run_scoped3A : memref<!tpu.dma_semaphore, #tpu.memory_space<semaphore_mem>>) {add = true}
            %dma_wait3A = arith.constant 0 : i32
            %dma_wait3A_44 = tpu.memref_slice %arg14[%add3A_38, %dma_wait3A] : memref<196x128xi32, #tpu.memory_space<vmem>> -> memref<1x128xi32, #tpu.memory_space<vmem>>
            %dma_wait3A_45 = tpu.memref_squeeze %dma_wait3A_44 : memref<1x128xi32, #tpu.memory_space<vmem>> -> memref<128xi32, #tpu.memory_space<vmem>>
            %dma_wait3A_46 = arith.constant 0 : i32
            %dma_wait3A_47 = arith.constant 0 : i32
            %dma_wait3A_48 = tpu.memref_slice %arg16[%dma_wait3A_46, %dma_wait3A_47] : memref<50176x16xf32, #tpu.memory_space<vmem_shared>> -> memref<50176x16xf32, #tpu.memory_space<vmem_shared>>
            tpu.wait_indirect_dma semaphore(%run_scoped3A : memref<!tpu.dma_semaphore, #tpu.memory_space<semaphore_mem>>) src(%arg15 : memref<128x16xf32, #tpu.memory_space<vmem>>) dst(%dma_wait3A_48 : memref<50176x16xf32, #tpu.memory_space<vmem_shared>>)
            tpu.yield
          }) : () -> ()
        }
        %scan3A_33 = arith.constant 196 : i32
      }
      %scan3A_19 = arith.constant 2 : i32
      %barrier3A_20 = arith.constant 0 : index
      tpu.barrier barrier_id(%barrier3A_20)
      "tpu.region"() ({
        %run_scoped3A = tpu.sem_alloc : memref<!tpu.dma_semaphore, #tpu.memory_space<semaphore_mem>>
        %dma_start3A = arith.constant 0 : i32
        %dma_start3A_22 = tpu.memref_slice %arg12[%mul3A_0, %dma_start3A] : memref<50176x16xf32, #tpu.memory_space<hbm>> -> memref<3136x16xf32, #tpu.memory_space<hbm>>
        %dma_start3A_23 = arith.constant 0 : i32
        %dma_start3A_24 = tpu.memref_slice %arg16[%mul3A_0, %dma_start3A_23] : memref<50176x16xf32, #tpu.memory_space<vmem_shared>> -> memref<3136x16xf32, #tpu.memory_space<vmem_shared>>
        tpu.enqueue_dma source(%dma_start3A_24 : memref<3136x16xf32, #tpu.memory_space<vmem_shared>>) target(%dma_start3A_22 : memref<3136x16xf32, #tpu.memory_space<hbm>>) target_semaphore(%run_scoped3A : memref<!tpu.dma_semaphore, #tpu.memory_space<semaphore_mem>>)
        %dma_wait3A = arith.constant 0 : i32
        %dma_wait3A_25 = tpu.memref_slice %arg12[%mul3A_0, %dma_wait3A] : memref<50176x16xf32, #tpu.memory_space<hbm>> -> memref<3136x16xf32, #tpu.memory_space<hbm>>
        %dma_wait3A_26 = arith.constant 0 : i32
        %dma_wait3A_27 = tpu.memref_slice %arg16[%mul3A_0, %dma_wait3A_26] : memref<50176x16xf32, #tpu.memory_space<vmem_shared>> -> memref<3136x16xf32, #tpu.memory_space<vmem_shared>>
        tpu.wait_dma2 semaphore(%run_scoped3A : memref<!tpu.dma_semaphore, #tpu.memory_space<semaphore_mem>>) src(%dma_wait3A_27 : memref<3136x16xf32, #tpu.memory_space<vmem_shared>>) dst(%dma_wait3A_25 : memref<3136x16xf32, #tpu.memory_space<hbm>>)
        tpu.yield
      }) : () -> ()
      %barrier3A_21 = arith.constant 0 : index
      tpu.barrier barrier_id(%barrier3A_21)
    } else {
    }
    return
  }
}

#map = affine_map<(d0, d1) -> (0, 0, 0)>
#map1 = affine_map<(d0, d1) -> (0, 0)>
module attributes {stable_mosaic.version = 14 : i64} {
  func.func @_agg1_body(%arg0: i32, %arg1: i32, %arg2: memref<32x196x128xi32, #tpu.memory_space<hbm>>, %arg3: memref<32x196x128xi32, #tpu.memory_space<hbm>>, %arg4: memref<50000x4xf32, #tpu.memory_space<hbm>>, %arg5: memref<50176x4xf32, #tpu.memory_space<hbm>>, %arg6: memref<50176x4xf32, #tpu.memory_space<hbm>>, %arg7: memref<50176x4xf32, #tpu.memory_space<hbm>>, %arg8: memref<196x128xi32, #tpu.memory_space<vmem>>, %arg9: memref<196x128xi32, #tpu.memory_space<vmem>>, %arg10: memref<128x4xf32, #tpu.memory_space<vmem>>, %arg11: memref<50176x4xf32, #tpu.memory_space<vmem_shared>>) attributes {dimension_semantics = [#tpu.dimension_semantics<core_parallel>, #tpu.dimension_semantics<subcore_parallel>], iteration_bounds = array<i64: 2, 16>, scalar_prefetch = 0 : i64, scratch_operands = 4 : i64, tpu.core_type = #tpu.core_type<sc_vector_subcore>, window_params = [{transform_indices = #map}, {transform_indices = #map}, {transform_indices = #map1}, {transform_indices = #map1}, {transform_indices = #map1}, {transform_indices = #map1}]} {
    %mul3A = arith.constant 3136 : i32
    %mul3A_0 = arith.muli %arg1, %mul3A : i32
    "tpu.region"() ({
      %run_scoped3A = tpu.sem_alloc : memref<!tpu.dma_semaphore, #tpu.memory_space<semaphore_mem>>
      %dma_start3A = arith.constant 0 : i32
      %dma_start3A_15 = tpu.memref_slice %arg11[%mul3A_0, %dma_start3A] : memref<50176x4xf32, #tpu.memory_space<vmem_shared>> -> memref<3136x4xf32, #tpu.memory_space<vmem_shared>>
      %dma_start3A_16 = arith.constant 0 : i32
      %dma_start3A_17 = tpu.memref_slice %arg5[%mul3A_0, %dma_start3A_16] : memref<50176x4xf32, #tpu.memory_space<hbm>> -> memref<3136x4xf32, #tpu.memory_space<hbm>>
      tpu.enqueue_dma source(%dma_start3A_17 : memref<3136x4xf32, #tpu.memory_space<hbm>>) target(%dma_start3A_15 : memref<3136x4xf32, #tpu.memory_space<vmem_shared>>) target_semaphore(%run_scoped3A : memref<!tpu.dma_semaphore, #tpu.memory_space<semaphore_mem>>)
      %dma_wait3A = arith.constant 0 : i32
      %dma_wait3A_18 = tpu.memref_slice %arg11[%mul3A_0, %dma_wait3A] : memref<50176x4xf32, #tpu.memory_space<vmem_shared>> -> memref<3136x4xf32, #tpu.memory_space<vmem_shared>>
      %dma_wait3A_19 = arith.constant 0 : i32
      %dma_wait3A_20 = tpu.memref_slice %arg5[%mul3A_0, %dma_wait3A_19] : memref<50176x4xf32, #tpu.memory_space<hbm>> -> memref<3136x4xf32, #tpu.memory_space<hbm>>
      tpu.wait_dma2 semaphore(%run_scoped3A : memref<!tpu.dma_semaphore, #tpu.memory_space<semaphore_mem>>) src(%dma_wait3A_20 : memref<3136x4xf32, #tpu.memory_space<hbm>>) dst(%dma_wait3A_18 : memref<3136x4xf32, #tpu.memory_space<vmem_shared>>)
      tpu.yield
    }) : () -> ()
    %barrier3A = arith.constant 0 : index
    tpu.barrier barrier_id(%barrier3A)
    %mul3A_1 = arith.constant 16 : i32
    %mul3A_2 = arith.muli %arg0, %mul3A_1 : i32
    %add3A = arith.addi %mul3A_2, %arg1 : i32
    "tpu.region"() ({
      %run_scoped3A = tpu.sem_alloc : memref<!tpu.dma_semaphore, #tpu.memory_space<semaphore_mem>>
      %dma_start3A = arith.constant 0 : i32
      %dma_start3A_15 = arith.constant 0 : i32
      %dma_start3A_16 = tpu.memref_slice %arg2[%add3A, %dma_start3A, %dma_start3A_15] : memref<32x196x128xi32, #tpu.memory_space<hbm>> -> memref<1x196x128xi32, #tpu.memory_space<hbm>>
      %dma_start3A_17 = tpu.memref_squeeze %dma_start3A_16 : memref<1x196x128xi32, #tpu.memory_space<hbm>> -> memref<196x128xi32, #tpu.memory_space<hbm>>
      %dma_start3A_18 = arith.constant 0 : i32
      %dma_start3A_19 = arith.constant 0 : i32
      %dma_start3A_20 = tpu.memref_slice %arg2[%add3A, %dma_start3A_18, %dma_start3A_19] : memref<32x196x128xi32, #tpu.memory_space<hbm>> -> memref<1x196x128xi32, #tpu.memory_space<hbm>>
      %dma_start3A_21 = tpu.memref_squeeze %dma_start3A_20 : memref<1x196x128xi32, #tpu.memory_space<hbm>> -> memref<196x128xi32, #tpu.memory_space<hbm>>
      tpu.enqueue_dma source(%dma_start3A_21 : memref<196x128xi32, #tpu.memory_space<hbm>>) target(%arg8 : memref<196x128xi32, #tpu.memory_space<vmem>>) target_semaphore(%run_scoped3A : memref<!tpu.dma_semaphore, #tpu.memory_space<semaphore_mem>>)
      %dma_wait3A = arith.constant 0 : i32
      %dma_wait3A_22 = arith.constant 0 : i32
      %dma_wait3A_23 = tpu.memref_slice %arg2[%add3A, %dma_wait3A, %dma_wait3A_22] : memref<32x196x128xi32, #tpu.memory_space<hbm>> -> memref<1x196x128xi32, #tpu.memory_space<hbm>>
      %dma_wait3A_24 = tpu.memref_squeeze %dma_wait3A_23 : memref<1x196x128xi32, #tpu.memory_space<hbm>> -> memref<196x128xi32, #tpu.memory_space<hbm>>
      %dma_wait3A_25 = arith.constant 0 : i32
      %dma_wait3A_26 = arith.constant 0 : i32
      %dma_wait3A_27 = tpu.memref_slice %arg2[%add3A, %dma_wait3A_25, %dma_wait3A_26] : memref<32x196x128xi32, #tpu.memory_space<hbm>> -> memref<1x196x128xi32, #tpu.memory_space<hbm>>
      %dma_wait3A_28 = tpu.memref_squeeze %dma_wait3A_27 : memref<1x196x128xi32, #tpu.memory_space<hbm>> -> memref<196x128xi32, #tpu.memory_space<hbm>>
      tpu.wait_dma2 semaphore(%run_scoped3A : memref<!tpu.dma_semaphore, #tpu.memory_space<semaphore_mem>>) src(%dma_wait3A_28 : memref<196x128xi32, #tpu.memory_space<hbm>>) dst(%arg8 : memref<196x128xi32, #tpu.memory_space<vmem>>)
      tpu.yield
    }) : () -> ()
    "tpu.region"() ({
      %run_scoped3A = tpu.sem_alloc : memref<!tpu.dma_semaphore, #tpu.memory_space<semaphore_mem>>
      %dma_start3A = arith.constant 0 : i32
      %dma_start3A_15 = arith.constant 0 : i32
      %dma_start3A_16 = tpu.memref_slice %arg3[%add3A, %dma_start3A, %dma_start3A_15] : memref<32x196x128xi32, #tpu.memory_space<hbm>> -> memref<1x196x128xi32, #tpu.memory_space<hbm>>
      %dma_start3A_17 = tpu.memref_squeeze %dma_start3A_16 : memref<1x196x128xi32, #tpu.memory_space<hbm>> -> memref<196x128xi32, #tpu.memory_space<hbm>>
      %dma_start3A_18 = arith.constant 0 : i32
      %dma_start3A_19 = arith.constant 0 : i32
      %dma_start3A_20 = tpu.memref_slice %arg3[%add3A, %dma_start3A_18, %dma_start3A_19] : memref<32x196x128xi32, #tpu.memory_space<hbm>> -> memref<1x196x128xi32, #tpu.memory_space<hbm>>
      %dma_start3A_21 = tpu.memref_squeeze %dma_start3A_20 : memref<1x196x128xi32, #tpu.memory_space<hbm>> -> memref<196x128xi32, #tpu.memory_space<hbm>>
      tpu.enqueue_dma source(%dma_start3A_21 : memref<196x128xi32, #tpu.memory_space<hbm>>) target(%arg9 : memref<196x128xi32, #tpu.memory_space<vmem>>) target_semaphore(%run_scoped3A : memref<!tpu.dma_semaphore, #tpu.memory_space<semaphore_mem>>)
      %dma_wait3A = arith.constant 0 : i32
      %dma_wait3A_22 = arith.constant 0 : i32
      %dma_wait3A_23 = tpu.memref_slice %arg3[%add3A, %dma_wait3A, %dma_wait3A_22] : memref<32x196x128xi32, #tpu.memory_space<hbm>> -> memref<1x196x128xi32, #tpu.memory_space<hbm>>
      %dma_wait3A_24 = tpu.memref_squeeze %dma_wait3A_23 : memref<1x196x128xi32, #tpu.memory_space<hbm>> -> memref<196x128xi32, #tpu.memory_space<hbm>>
      %dma_wait3A_25 = arith.constant 0 : i32
      %dma_wait3A_26 = arith.constant 0 : i32
      %dma_wait3A_27 = tpu.memref_slice %arg3[%add3A, %dma_wait3A_25, %dma_wait3A_26] : memref<32x196x128xi32, #tpu.memory_space<hbm>> -> memref<1x196x128xi32, #tpu.memory_space<hbm>>
      %dma_wait3A_28 = tpu.memref_squeeze %dma_wait3A_27 : memref<1x196x128xi32, #tpu.memory_space<hbm>> -> memref<196x128xi32, #tpu.memory_space<hbm>>
      tpu.wait_dma2 semaphore(%run_scoped3A : memref<!tpu.dma_semaphore, #tpu.memory_space<semaphore_mem>>) src(%dma_wait3A_28 : memref<196x128xi32, #tpu.memory_space<hbm>>) dst(%arg9 : memref<196x128xi32, #tpu.memory_space<vmem>>)
      tpu.yield
    }) : () -> ()
    %scan3A = arith.constant 0 : i32
    %scan3A_3 = arith.constant 196 : i32
    %scan3A_4 = arith.addi %scan3A, %scan3A_3 : i32
    %scan3A_5 = arith.constant 1 : i32
    scf.for %scan3A_15 = %scan3A to %scan3A_4 step %scan3A_5  : i32 {
      %mul3A_16 = arith.constant 1 : i32
      %mul3A_17 = arith.muli %scan3A_15, %mul3A_16 : i32
      %add3A_18 = arith.constant 0 : i32
      %add3A_19 = arith.addi %add3A_18, %mul3A_17 : i32
      "tpu.region"() ({
        %run_scoped3A = tpu.sem_alloc : memref<!tpu.dma_semaphore, #tpu.memory_space<semaphore_mem>>
        %dma_start3A = arith.constant 0 : i32
        %dma_start3A_20 = tpu.memref_slice %arg8[%add3A_19, %dma_start3A] : memref<196x128xi32, #tpu.memory_space<vmem>> -> memref<1x128xi32, #tpu.memory_space<vmem>>
        %dma_start3A_21 = tpu.memref_squeeze %dma_start3A_20 : memref<1x128xi32, #tpu.memory_space<vmem>> -> memref<128xi32, #tpu.memory_space<vmem>>
        %dma_start3A_22 = arith.constant 0 : i32
        %dma_start3A_23 = arith.constant 0 : i32
        %dma_start3A_24 = tpu.memref_slice %arg4[%dma_start3A_22, %dma_start3A_23] : memref<50000x4xf32, #tpu.memory_space<hbm>> -> memref<50000x4xf32, #tpu.memory_space<hbm>>
        tpu.enqueue_indirect_dma source(%dma_start3A_24 : memref<50000x4xf32, #tpu.memory_space<hbm>>) target(%arg10 : memref<128x4xf32, #tpu.memory_space<vmem>>) offsets(%dma_start3A_21 : memref<128xi32, #tpu.memory_space<vmem>>) semaphore(%run_scoped3A : memref<!tpu.dma_semaphore, #tpu.memory_space<semaphore_mem>>)
        %dma_wait3A = arith.constant 0 : i32
        %dma_wait3A_25 = tpu.memref_slice %arg8[%add3A_19, %dma_wait3A] : memref<196x128xi32, #tpu.memory_space<vmem>> -> memref<1x128xi32, #tpu.memory_space<vmem>>
        %dma_wait3A_26 = tpu.memref_squeeze %dma_wait3A_25 : memref<1x128xi32, #tpu.memory_space<vmem>> -> memref<128xi32, #tpu.memory_space<vmem>>
        %dma_wait3A_27 = arith.constant 0 : i32
        %dma_wait3A_28 = arith.constant 0 : i32
        %dma_wait3A_29 = tpu.memref_slice %arg4[%dma_wait3A_27, %dma_wait3A_28] : memref<50000x4xf32, #tpu.memory_space<hbm>> -> memref<50000x4xf32, #tpu.memory_space<hbm>>
        tpu.wait_indirect_dma semaphore(%run_scoped3A : memref<!tpu.dma_semaphore, #tpu.memory_space<semaphore_mem>>) src(%dma_wait3A_29 : memref<50000x4xf32, #tpu.memory_space<hbm>>) dst(%arg10 : memref<128x4xf32, #tpu.memory_space<vmem>>)
        tpu.yield
      }) : () -> ()
      "tpu.region"() ({
        %run_scoped3A = tpu.sem_alloc : memref<!tpu.dma_semaphore, #tpu.memory_space<semaphore_mem>>
        %dma_start3A = arith.constant 0 : i32
        %dma_start3A_20 = tpu.memref_slice %arg9[%add3A_19, %dma_start3A] : memref<196x128xi32, #tpu.memory_space<vmem>> -> memref<1x128xi32, #tpu.memory_space<vmem>>
        %dma_start3A_21 = tpu.memref_squeeze %dma_start3A_20 : memref<1x128xi32, #tpu.memory_space<vmem>> -> memref<128xi32, #tpu.memory_space<vmem>>
        %dma_start3A_22 = arith.constant 0 : i32
        %dma_start3A_23 = arith.constant 0 : i32
        %dma_start3A_24 = tpu.memref_slice %arg11[%dma_start3A_22, %dma_start3A_23] : memref<50176x4xf32, #tpu.memory_space<vmem_shared>> -> memref<50176x4xf32, #tpu.memory_space<vmem_shared>>
        tpu.enqueue_indirect_dma source(%arg10 : memref<128x4xf32, #tpu.memory_space<vmem>>) target(%dma_start3A_24 : memref<50176x4xf32, #tpu.memory_space<vmem_shared>>) offsets(%dma_start3A_21 : memref<128xi32, #tpu.memory_space<vmem>>) semaphore(%run_scoped3A : memref<!tpu.dma_semaphore, #tpu.memory_space<semaphore_mem>>) {add = true}
        %dma_wait3A = arith.constant 0 : i32
        %dma_wait3A_25 = tpu.memref_slice %arg9[%add3A_19, %dma_wait3A] : memref<196x128xi32, #tpu.memory_space<vmem>> -> memref<1x128xi32, #tpu.memory_space<vmem>>
        %dma_wait3A_26 = tpu.memref_squeeze %dma_wait3A_25 : memref<1x128xi32, #tpu.memory_space<vmem>> -> memref<128xi32, #tpu.memory_space<vmem>>
        %dma_wait3A_27 = arith.constant 0 : i32
        %dma_wait3A_28 = arith.constant 0 : i32
        %dma_wait3A_29 = tpu.memref_slice %arg11[%dma_wait3A_27, %dma_wait3A_28] : memref<50176x4xf32, #tpu.memory_space<vmem_shared>> -> memref<50176x4xf32, #tpu.memory_space<vmem_shared>>
        tpu.wait_indirect_dma semaphore(%run_scoped3A : memref<!tpu.dma_semaphore, #tpu.memory_space<semaphore_mem>>) src(%arg10 : memref<128x4xf32, #tpu.memory_space<vmem>>) dst(%dma_wait3A_29 : memref<50176x4xf32, #tpu.memory_space<vmem_shared>>)
        tpu.yield
      }) : () -> ()
    }
    %scan3A_6 = arith.constant 196 : i32
    %barrier3A_7 = arith.constant 0 : index
    tpu.barrier barrier_id(%barrier3A_7)
    %eq3A = arith.constant 0 : i32
    %eq3A_8 = arith.cmpi eq, %arg0, %eq3A : i32
    %convert_element_type3A = arith.extui %eq3A_8 : i1 to i32
    %cond3A = arith.constant 0 : i32
    %cond3A_9 = arith.cmpi ne, %convert_element_type3A, %cond3A : i32
    scf.if %cond3A_9 {
      "tpu.region"() ({
        %run_scoped3A = tpu.sem_alloc : memref<!tpu.dma_semaphore, #tpu.memory_space<semaphore_mem>>
        %dma_start3A = arith.constant 0 : i32
        %dma_start3A_15 = tpu.memref_slice %arg6[%mul3A_0, %dma_start3A] : memref<50176x4xf32, #tpu.memory_space<hbm>> -> memref<3136x4xf32, #tpu.memory_space<hbm>>
        %dma_start3A_16 = arith.constant 0 : i32
        %dma_start3A_17 = tpu.memref_slice %arg11[%mul3A_0, %dma_start3A_16] : memref<50176x4xf32, #tpu.memory_space<vmem_shared>> -> memref<3136x4xf32, #tpu.memory_space<vmem_shared>>
        tpu.enqueue_dma source(%dma_start3A_17 : memref<3136x4xf32, #tpu.memory_space<vmem_shared>>) target(%dma_start3A_15 : memref<3136x4xf32, #tpu.memory_space<hbm>>) target_semaphore(%run_scoped3A : memref<!tpu.dma_semaphore, #tpu.memory_space<semaphore_mem>>)
        %dma_wait3A = arith.constant 0 : i32
        %dma_wait3A_18 = tpu.memref_slice %arg6[%mul3A_0, %dma_wait3A] : memref<50176x4xf32, #tpu.memory_space<hbm>> -> memref<3136x4xf32, #tpu.memory_space<hbm>>
        %dma_wait3A_19 = arith.constant 0 : i32
        %dma_wait3A_20 = tpu.memref_slice %arg11[%mul3A_0, %dma_wait3A_19] : memref<50176x4xf32, #tpu.memory_space<vmem_shared>> -> memref<3136x4xf32, #tpu.memory_space<vmem_shared>>
        tpu.wait_dma2 semaphore(%run_scoped3A : memref<!tpu.dma_semaphore, #tpu.memory_space<semaphore_mem>>) src(%dma_wait3A_20 : memref<3136x4xf32, #tpu.memory_space<vmem_shared>>) dst(%dma_wait3A_18 : memref<3136x4xf32, #tpu.memory_space<hbm>>)
        tpu.yield
      }) : () -> ()
    } else {
    }
    %eq3A_10 = arith.constant 1 : i32
    %eq3A_11 = arith.cmpi eq, %arg0, %eq3A_10 : i32
    %convert_element_type3A_12 = arith.extui %eq3A_11 : i1 to i32
    %cond3A_13 = arith.constant 0 : i32
    %cond3A_14 = arith.cmpi ne, %convert_element_type3A_12, %cond3A_13 : i32
    scf.if %cond3A_14 {
      "tpu.region"() ({
        %run_scoped3A = tpu.sem_alloc : memref<!tpu.dma_semaphore, #tpu.memory_space<semaphore_mem>>
        %dma_start3A = arith.constant 0 : i32
        %dma_start3A_15 = tpu.memref_slice %arg7[%mul3A_0, %dma_start3A] : memref<50176x4xf32, #tpu.memory_space<hbm>> -> memref<3136x4xf32, #tpu.memory_space<hbm>>
        %dma_start3A_16 = arith.constant 0 : i32
        %dma_start3A_17 = tpu.memref_slice %arg11[%mul3A_0, %dma_start3A_16] : memref<50176x4xf32, #tpu.memory_space<vmem_shared>> -> memref<3136x4xf32, #tpu.memory_space<vmem_shared>>
        tpu.enqueue_dma source(%dma_start3A_17 : memref<3136x4xf32, #tpu.memory_space<vmem_shared>>) target(%dma_start3A_15 : memref<3136x4xf32, #tpu.memory_space<hbm>>) target_semaphore(%run_scoped3A : memref<!tpu.dma_semaphore, #tpu.memory_space<semaphore_mem>>)
        %dma_wait3A = arith.constant 0 : i32
        %dma_wait3A_18 = tpu.memref_slice %arg7[%mul3A_0, %dma_wait3A] : memref<50176x4xf32, #tpu.memory_space<hbm>> -> memref<3136x4xf32, #tpu.memory_space<hbm>>
        %dma_wait3A_19 = arith.constant 0 : i32
        %dma_wait3A_20 = tpu.memref_slice %arg11[%mul3A_0, %dma_wait3A_19] : memref<50176x4xf32, #tpu.memory_space<vmem_shared>> -> memref<3136x4xf32, #tpu.memory_space<vmem_shared>>
        tpu.wait_dma2 semaphore(%run_scoped3A : memref<!tpu.dma_semaphore, #tpu.memory_space<semaphore_mem>>) src(%dma_wait3A_20 : memref<3136x4xf32, #tpu.memory_space<vmem_shared>>) dst(%dma_wait3A_18 : memref<3136x4xf32, #tpu.memory_space<hbm>>)
        tpu.yield
      }) : () -> ()
    } else {
    }
    return
  }
}

module attributes {stable_mosaic.version = 14 : i64} {
  func.func @_tc1_body(%arg0: i32, %arg1: memref<2000x4xf32, #tpu.memory_space<vmem>>, %arg2: memref<2000x4xf32, #tpu.memory_space<vmem>>, %arg3: memref<2000x3xf32, #tpu.memory_space<vmem>>, %arg4: memref<2000x1xf32, #tpu.memory_space<vmem>>, %arg5: memref<2000x4xf32, #tpu.memory_space<vmem>>) attributes {dimension_semantics = [#tpu.dimension_semantics<arbitrary>], iteration_bounds = array<i64: 25>, scalar_prefetch = 0 : i64, scratch_operands = 0 : i64, tpu.core_type = #tpu.core_type<tc>, window_params = [{transform_indices = @transform_0, window_bounds = array<i64: 2000, 4>}, {transform_indices = @transform_1, window_bounds = array<i64: 2000, 4>}, {transform_indices = @transform_2, window_bounds = array<i64: 2000, 3>}, {transform_indices = @transform_3, window_bounds = array<i64: 2000, 1>}, {transform_indices = @transform_4, window_bounds = array<i64: 2000, 4>}]} {
    %get3A = arith.constant 0 : index
    %get3A_0 = arith.constant 0 : index
    %get3A_1 = vector.load %arg1[%get3A, %get3A_0] : memref<2000x4xf32, #tpu.memory_space<vmem>>, vector<2000x1xf32>
    %get3A_2 = arith.constant 0 : index
    %get3A_3 = arith.constant 0 : index
    %get3A_4 = vector.load %arg2[%get3A_2, %get3A_3] : memref<2000x4xf32, #tpu.memory_space<vmem>>, vector<2000x1xf32>
    %add3A = arith.addf %get3A_1, %get3A_4 : vector<2000x1xf32>
    %add3A_5 = arith.constant 1.000000e+00 : f32
    %add3A_6 = vector.broadcast %add3A_5 : f32 to vector<2000x1xf32>
    %add3A_7 = arith.addf %add3A, %add3A_6 : vector<2000x1xf32>
    %rsqrt3A = math.rsqrt %add3A_7 : vector<2000x1xf32>
    %swap3A = arith.constant 0 : index
    %swap3A_8 = arith.constant 0 : index
    %swap3A_9 = vector.load %arg4[%swap3A, %swap3A_8] : memref<2000x1xf32, #tpu.memory_space<vmem>>, vector<2000x1xf32>
    tpu.vector_store %arg4[%swap3A, %swap3A_8], %rsqrt3A {strides = array<i32>} : memref<2000x1xf32, #tpu.memory_space<vmem>>, vector<2000x1xf32>,
    %get3A_10 = arith.constant 0 : index
    %get3A_11 = arith.constant 0 : index
    %get3A_12 = vector.load %arg3[%get3A_10, %get3A_11] : memref<2000x3xf32, #tpu.memory_space<vmem>>, vector<2000x3xf32>
    %mul3A = vector.broadcast %rsqrt3A : vector<2000x1xf32> to vector<2000x3xf32>
    %mul3A_13 = arith.mulf %get3A_12, %mul3A : vector<2000x3xf32>
    %broadcast_in_dim3A = arith.constant 0.000000e+00 : f32
    %broadcast_in_dim3A_14 = vector.broadcast %broadcast_in_dim3A : f32 to vector<2000x1xf32>
    %concatenate3A = tpu.concatenate %mul3A_13, %broadcast_in_dim3A_14 in 1 : vector<2000x3xf32>, vector<2000x1xf32> -> vector<2000x4xf32>
    %swap3A_15 = arith.constant 0 : index
    %swap3A_16 = arith.constant 0 : index
    %swap3A_17 = vector.load %arg5[%swap3A_15, %swap3A_16] : memref<2000x4xf32, #tpu.memory_space<vmem>>, vector<2000x4xf32>
    tpu.vector_store %arg5[%swap3A_15, %swap3A_16], %concatenate3A {strides = array<i32>} : memref<2000x4xf32, #tpu.memory_space<vmem>>, vector<2000x4xf32>,
    return
  }
  func.func @transform_0(%arg0: i32) -> (i32, i32) {
    %c0_i32 = arith.constant 0 : i32
    %c0_i32_0 = arith.constant 0 : i32
    return %arg0, %c0_i32 : i32, i32
  }
  func.func @transform_1(%arg0: i32) -> (i32, i32) {
    %c0_i32 = arith.constant 0 : i32
    %c0_i32_0 = arith.constant 0 : i32
    return %arg0, %c0_i32 : i32, i32
  }
  func.func @transform_2(%arg0: i32) -> (i32, i32) {
    %c0_i32 = arith.constant 0 : i32
    %c0_i32_0 = arith.constant 0 : i32
    return %arg0, %c0_i32 : i32, i32
  }
  func.func @transform_3(%arg0: i32) -> (i32, i32) {
    %c0_i32 = arith.constant 0 : i32
    %c0_i32_0 = arith.constant 0 : i32
    return %arg0, %c0_i32 : i32, i32
  }
  func.func @transform_4(%arg0: i32) -> (i32, i32) {
    %c0_i32 = arith.constant 0 : i32
    %c0_i32_0 = arith.constant 0 : i32
    return %arg0, %c0_i32 : i32, i32
  }
}

module attributes {stable_mosaic.version = 14 : i64} {
  func.func @_tc2_body(%arg0: i32, %arg1: memref<2000x4xf32, #tpu.memory_space<vmem>>, %arg2: memref<2000x4xf32, #tpu.memory_space<vmem>>, %arg3: memref<2000x4xf32, #tpu.memory_space<vmem>>, %arg4: memref<2000x1xf32, #tpu.memory_space<vmem>>, %arg5: memref<4x128xf32, #tpu.memory_space<vmem>>, %arg6: memref<1x128xf32, #tpu.memory_space<vmem>>, %arg7: memref<128x64xf32, #tpu.memory_space<vmem>>, %arg8: memref<2000x16xf32, #tpu.memory_space<vmem>>, %arg9: memref<2000x16xf32, #tpu.memory_space<vmem>>, %arg10: memref<2000x16xf32, #tpu.memory_space<vmem>>, %arg11: memref<2000x16xf32, #tpu.memory_space<vmem>>) attributes {dimension_semantics = [#tpu.dimension_semantics<arbitrary>], iteration_bounds = array<i64: 25>, scalar_prefetch = 0 : i64, scratch_operands = 0 : i64, tpu.core_type = #tpu.core_type<tc>, window_params = [{transform_indices = @transform_0, window_bounds = array<i64: 2000, 4>}, {transform_indices = @transform_1, window_bounds = array<i64: 2000, 4>}, {transform_indices = @transform_2, window_bounds = array<i64: 2000, 4>}, {transform_indices = @transform_3, window_bounds = array<i64: 2000, 1>}, {pipeline_mode = #tpu.pipeline_mode<synchronous>, transform_indices = @transform_4, window_bounds = array<i64: 4, 128>}, {pipeline_mode = #tpu.pipeline_mode<synchronous>, transform_indices = @transform_5, window_bounds = array<i64: 1, 128>}, {pipeline_mode = #tpu.pipeline_mode<synchronous>, transform_indices = @transform_6, window_bounds = array<i64: 128, 64>}, {transform_indices = @transform_7, window_bounds = array<i64: 2000, 16>}, {transform_indices = @transform_8, window_bounds = array<i64: 2000, 16>}, {transform_indices = @transform_9, window_bounds = array<i64: 2000, 16>}, {transform_indices = @transform_10, window_bounds = array<i64: 2000, 16>}]} {
    %get3A = arith.constant 0 : index
    %get3A_0 = arith.constant 0 : index
    %get3A_1 = vector.load %arg1[%get3A, %get3A_0] : memref<2000x4xf32, #tpu.memory_space<vmem>>, vector<2000x4xf32>
    %get3A_2 = arith.constant 0 : index
    %get3A_3 = arith.constant 0 : index
    %get3A_4 = vector.load %arg2[%get3A_2, %get3A_3] : memref<2000x4xf32, #tpu.memory_space<vmem>>, vector<2000x4xf32>
    %add3A = arith.addf %get3A_1, %get3A_4 : vector<2000x4xf32>
    %get3A_5 = arith.constant 0 : index
    %get3A_6 = arith.constant 0 : index
    %get3A_7 = vector.load %arg3[%get3A_5, %get3A_6] : memref<2000x4xf32, #tpu.memory_space<vmem>>, vector<2000x4xf32>
    %add3A_8 = arith.addf %add3A, %get3A_7 : vector<2000x4xf32>
    %get3A_9 = arith.constant 0 : index
    %get3A_10 = arith.constant 0 : index
    %get3A_11 = vector.load %arg4[%get3A_9, %get3A_10] : memref<2000x1xf32, #tpu.memory_space<vmem>>, vector<2000x1xf32>
    %mul3A = vector.broadcast %get3A_11 : vector<2000x1xf32> to vector<2000x4xf32>
    %mul3A_12 = arith.mulf %add3A_8, %mul3A : vector<2000x4xf32>
    %get3A_13 = arith.constant 0 : index
    %get3A_14 = arith.constant 0 : index
    %get3A_15 = vector.load %arg5[%get3A_13, %get3A_14] : memref<4x128xf32, #tpu.memory_space<vmem>>, vector<4x128xf32>
    %dot_general3A = arith.constant dense<0.000000e+00> : vector<2000x128xf32>
    %dot_general3A_16 = tpu.matmul %mul3A_12, %get3A_15, %dot_general3A {dimension_numbers = #tpu.dot_dimension_numbers<[1], [0], [0], [1], [0, 0, 1, 1], [], []>, precision = #tpu.contract_precision<fp32>, transpose_lhs_hint = false} : vector<2000x4xf32>, vector<4x128xf32>, vector<2000x128xf32> -> vector<2000x128xf32>
    %get3A_17 = arith.constant 0 : index
    %get3A_18 = arith.constant 0 : index
    %get3A_19 = vector.load %arg6[%get3A_17, %get3A_18] : memref<1x128xf32, #tpu.memory_space<vmem>>, vector<1x128xf32>
    %add3A_20 = vector.broadcast %get3A_19 : vector<1x128xf32> to vector<2000x128xf32>
    %add3A_21 = arith.addf %dot_general3A_16, %add3A_20 : vector<2000x128xf32>
    %max3A = arith.constant 0.000000e+00 : f32
    %max3A_22 = vector.broadcast %max3A : f32 to vector<2000x128xf32>
    %max3A_23 = arith.maximumf %add3A_21, %max3A_22 : vector<2000x128xf32>
    %get3A_24 = arith.constant 0 : index
    %get3A_25 = arith.constant 0 : index
    %get3A_26 = vector.load %arg7[%get3A_24, %get3A_25] : memref<128x64xf32, #tpu.memory_space<vmem>>, vector<128x64xf32>
    %dot_general3A_27 = arith.constant dense<0.000000e+00> : vector<2000x64xf32>
    %dot_general3A_28 = tpu.matmul %max3A_23, %get3A_26, %dot_general3A_27 {dimension_numbers = #tpu.dot_dimension_numbers<[1], [0], [0], [1], [0, 0, 1, 1], [], []>, precision = #tpu.contract_precision<fp32>, transpose_lhs_hint = false} : vector<2000x128xf32>, vector<128x64xf32>, vector<2000x64xf32> -> vector<2000x64xf32>
    %get3A_29 = arith.constant 0 : index
    %get3A_30 = arith.constant 0 : index
    %get3A_31 = vector.load %arg4[%get3A_29, %get3A_30] : memref<2000x1xf32, #tpu.memory_space<vmem>>, vector<2000x1xf32>
    %mul3A_32 = vector.broadcast %get3A_31 : vector<2000x1xf32> to vector<2000x64xf32>
    %mul3A_33 = arith.mulf %dot_general3A_28, %mul3A_32 : vector<2000x64xf32>
    %slice3A = vector.extract_strided_slice %mul3A_33 {offsets = [0, 0], sizes = [2000, 16], strides = [1, 1]} : vector<2000x64xf32> to vector<2000x16xf32>
    %swap3A = arith.constant 0 : index
    %swap3A_34 = arith.constant 0 : index
    %swap3A_35 = vector.load %arg8[%swap3A, %swap3A_34] : memref<2000x16xf32, #tpu.memory_space<vmem>>, vector<2000x16xf32>
    tpu.vector_store %arg8[%swap3A, %swap3A_34], %slice3A {strides = array<i32>} : memref<2000x16xf32, #tpu.memory_space<vmem>>, vector<2000x16xf32>,
    %slice3A_36 = vector.extract_strided_slice %mul3A_33 {offsets = [0, 16], sizes = [2000, 16], strides = [1, 1]} : vector<2000x64xf32> to vector<2000x16xf32>
    %swap3A_37 = arith.constant 0 : index
    %swap3A_38 = arith.constant 0 : index
    %swap3A_39 = vector.load %arg9[%swap3A_37, %swap3A_38] : memref<2000x16xf32, #tpu.memory_space<vmem>>, vector<2000x16xf32>
    tpu.vector_store %arg9[%swap3A_37, %swap3A_38], %slice3A_36 {strides = array<i32>} : memref<2000x16xf32, #tpu.memory_space<vmem>>, vector<2000x16xf32>,
    %slice3A_40 = vector.extract_strided_slice %mul3A_33 {offsets = [0, 32], sizes = [2000, 16], strides = [1, 1]} : vector<2000x64xf32> to vector<2000x16xf32>
    %swap3A_41 = arith.constant 0 : index
    %swap3A_42 = arith.constant 0 : index
    %swap3A_43 = vector.load %arg10[%swap3A_41, %swap3A_42] : memref<2000x16xf32, #tpu.memory_space<vmem>>, vector<2000x16xf32>
    tpu.vector_store %arg10[%swap3A_41, %swap3A_42], %slice3A_40 {strides = array<i32>} : memref<2000x16xf32, #tpu.memory_space<vmem>>, vector<2000x16xf32>,
    %slice3A_44 = vector.extract_strided_slice %mul3A_33 {offsets = [0, 48], sizes = [2000, 16], strides = [1, 1]} : vector<2000x64xf32> to vector<2000x16xf32>
    %swap3A_45 = arith.constant 0 : index
    %swap3A_46 = arith.constant 0 : index
    %swap3A_47 = vector.load %arg11[%swap3A_45, %swap3A_46] : memref<2000x16xf32, #tpu.memory_space<vmem>>, vector<2000x16xf32>
    tpu.vector_store %arg11[%swap3A_45, %swap3A_46], %slice3A_44 {strides = array<i32>} : memref<2000x16xf32, #tpu.memory_space<vmem>>, vector<2000x16xf32>,
    return
  }
  func.func @transform_0(%arg0: i32) -> (i32, i32) {
    %c0_i32 = arith.constant 0 : i32
    %c0_i32_0 = arith.constant 0 : i32
    return %arg0, %c0_i32 : i32, i32
  }
  func.func @transform_1(%arg0: i32) -> (i32, i32) {
    %c0_i32 = arith.constant 0 : i32
    %c0_i32_0 = arith.constant 0 : i32
    return %arg0, %c0_i32 : i32, i32
  }
  func.func @transform_2(%arg0: i32) -> (i32, i32) {
    %c0_i32 = arith.constant 0 : i32
    %c0_i32_0 = arith.constant 0 : i32
    return %arg0, %c0_i32 : i32, i32
  }
  func.func @transform_3(%arg0: i32) -> (i32, i32) {
    %c0_i32 = arith.constant 0 : i32
    %c0_i32_0 = arith.constant 0 : i32
    return %arg0, %c0_i32 : i32, i32
  }
  func.func @transform_4(%arg0: i32) -> (i32, i32) {
    %c0_i32 = arith.constant 0 : i32
    %c0_i32_0 = arith.constant 0 : i32
    %c0_i32_1 = arith.constant 0 : i32
    return %c0_i32, %c0_i32_0 : i32, i32
  }
  func.func @transform_5(%arg0: i32) -> (i32, i32) {
    %c0_i32 = arith.constant 0 : i32
    %c0_i32_0 = arith.constant 0 : i32
    %c0_i32_1 = arith.constant 0 : i32
    return %c0_i32, %c0_i32_0 : i32, i32
  }
  func.func @transform_6(%arg0: i32) -> (i32, i32) {
    %c0_i32 = arith.constant 0 : i32
    %c0_i32_0 = arith.constant 0 : i32
    %c0_i32_1 = arith.constant 0 : i32
    return %c0_i32, %c0_i32_0 : i32, i32
  }
  func.func @transform_7(%arg0: i32) -> (i32, i32) {
    %c0_i32 = arith.constant 0 : i32
    %c0_i32_0 = arith.constant 0 : i32
    return %arg0, %c0_i32 : i32, i32
  }
  func.func @transform_8(%arg0: i32) -> (i32, i32) {
    %c0_i32 = arith.constant 0 : i32
    %c0_i32_0 = arith.constant 0 : i32
    return %arg0, %c0_i32 : i32, i32
  }
  func.func @transform_9(%arg0: i32) -> (i32, i32) {
    %c0_i32 = arith.constant 0 : i32
    %c0_i32_0 = arith.constant 0 : i32
    return %arg0, %c0_i32 : i32, i32
  }
  func.func @transform_10(%arg0: i32) -> (i32, i32) {
    %c0_i32 = arith.constant 0 : i32
    %c0_i32_0 = arith.constant 0 : i32
    return %arg0, %c0_i32 : i32, i32
  }
}

module attributes {stable_mosaic.version = 14 : i64} {
  func.func @_tc3_body(%arg0: i32, %arg1: memref<2000x16xf32, #tpu.memory_space<vmem>>, %arg2: memref<2000x16xf32, #tpu.memory_space<vmem>>, %arg3: memref<2000x16xf32, #tpu.memory_space<vmem>>, %arg4: memref<2000x16xf32, #tpu.memory_space<vmem>>, %arg5: memref<2000x16xf32, #tpu.memory_space<vmem>>, %arg6: memref<2000x16xf32, #tpu.memory_space<vmem>>, %arg7: memref<2000x16xf32, #tpu.memory_space<vmem>>, %arg8: memref<2000x16xf32, #tpu.memory_space<vmem>>, %arg9: memref<2000x1xf32, #tpu.memory_space<vmem>>, %arg10: memref<1x64xf32, #tpu.memory_space<vmem>>, %arg11: memref<64x3xf32, #tpu.memory_space<vmem>>, %arg12: memref<1x3xf32, #tpu.memory_space<vmem>>, %arg13: memref<1x3xf32, #tpu.memory_space<vmem>>, %arg14: memref<1x64xf32, #tpu.memory_space<vmem>>) attributes {dimension_semantics = [#tpu.dimension_semantics<arbitrary>], iteration_bounds = array<i64: 25>, scalar_prefetch = 0 : i64, scratch_operands = 1 : i64, tpu.core_type = #tpu.core_type<tc>, window_params = [{transform_indices = @transform_0, window_bounds = array<i64: 2000, 16>}, {transform_indices = @transform_1, window_bounds = array<i64: 2000, 16>}, {transform_indices = @transform_2, window_bounds = array<i64: 2000, 16>}, {transform_indices = @transform_3, window_bounds = array<i64: 2000, 16>}, {transform_indices = @transform_4, window_bounds = array<i64: 2000, 16>}, {transform_indices = @transform_5, window_bounds = array<i64: 2000, 16>}, {transform_indices = @transform_6, window_bounds = array<i64: 2000, 16>}, {transform_indices = @transform_7, window_bounds = array<i64: 2000, 16>}, {transform_indices = @transform_8, window_bounds = array<i64: 2000, 1>}, {pipeline_mode = #tpu.pipeline_mode<synchronous>, transform_indices = @transform_9, window_bounds = array<i64: 1, 64>}, {pipeline_mode = #tpu.pipeline_mode<synchronous>, transform_indices = @transform_10, window_bounds = array<i64: 64, 3>}, {pipeline_mode = #tpu.pipeline_mode<synchronous>, transform_indices = @transform_11, window_bounds = array<i64: 1, 3>}, {pipeline_mode = #tpu.pipeline_mode<synchronous>, transform_indices = @transform_12, window_bounds = array<i64: 1, 3>}]} {
    %eq3A = arith.constant 0 : i32
    %eq3A_0 = arith.cmpi eq, %arg0, %eq3A : i32
    %convert_element_type3A = arith.extui %eq3A_0 : i1 to i32
    %cond3A = arith.constant 0 : i32
    %cond3A_1 = arith.cmpi ne, %convert_element_type3A, %cond3A : i32
    scf.if %cond3A_1 {
      %broadcast_in_dim3A_51 = arith.constant 0.000000e+00 : f32
      %broadcast_in_dim3A_52 = vector.broadcast %broadcast_in_dim3A_51 : f32 to vector<1x64xf32>
      %swap3A_53 = arith.constant 0 : index
      %swap3A_54 = arith.constant 0 : index
      %swap3A_55 = vector.load %arg14[%swap3A_53, %swap3A_54] : memref<1x64xf32, #tpu.memory_space<vmem>>, vector<1x64xf32>
      tpu.vector_store %arg14[%swap3A_53, %swap3A_54], %broadcast_in_dim3A_52 {strides = array<i32>} : memref<1x64xf32, #tpu.memory_space<vmem>>, vector<1x64xf32>,
    } else {
    }
    %get3A = arith.constant 0 : index
    %get3A_2 = arith.constant 0 : index
    %get3A_3 = vector.load %arg1[%get3A, %get3A_2] : memref<2000x16xf32, #tpu.memory_space<vmem>>, vector<2000x16xf32>
    %get3A_4 = arith.constant 0 : index
    %get3A_5 = arith.constant 0 : index
    %get3A_6 = vector.load %arg5[%get3A_4, %get3A_5] : memref<2000x16xf32, #tpu.memory_space<vmem>>, vector<2000x16xf32>
    %add3A = arith.addf %get3A_3, %get3A_6 : vector<2000x16xf32>
    %get3A_7 = arith.constant 0 : index
    %get3A_8 = arith.constant 0 : index
    %get3A_9 = vector.load %arg2[%get3A_7, %get3A_8] : memref<2000x16xf32, #tpu.memory_space<vmem>>, vector<2000x16xf32>
    %get3A_10 = arith.constant 0 : index
    %get3A_11 = arith.constant 0 : index
    %get3A_12 = vector.load %arg6[%get3A_10, %get3A_11] : memref<2000x16xf32, #tpu.memory_space<vmem>>, vector<2000x16xf32>
    %add3A_13 = arith.addf %get3A_9, %get3A_12 : vector<2000x16xf32>
    %get3A_14 = arith.constant 0 : index
    %get3A_15 = arith.constant 0 : index
    %get3A_16 = vector.load %arg3[%get3A_14, %get3A_15] : memref<2000x16xf32, #tpu.memory_space<vmem>>, vector<2000x16xf32>
    %get3A_17 = arith.constant 0 : index
    %get3A_18 = arith.constant 0 : index
    %get3A_19 = vector.load %arg7[%get3A_17, %get3A_18] : memref<2000x16xf32, #tpu.memory_space<vmem>>, vector<2000x16xf32>
    %add3A_20 = arith.addf %get3A_16, %get3A_19 : vector<2000x16xf32>
    %get3A_21 = arith.constant 0 : index
    %get3A_22 = arith.constant 0 : index
    %get3A_23 = vector.load %arg4[%get3A_21, %get3A_22] : memref<2000x16xf32, #tpu.memory_space<vmem>>, vector<2000x16xf32>
    %get3A_24 = arith.constant 0 : index
    %get3A_25 = arith.constant 0 : index
    %get3A_26 = vector.load %arg8[%get3A_24, %get3A_25] : memref<2000x16xf32, #tpu.memory_space<vmem>>, vector<2000x16xf32>
    %add3A_27 = arith.addf %get3A_23, %get3A_26 : vector<2000x16xf32>
    %concatenate3A = tpu.concatenate %add3A, %add3A_13, %add3A_20, %add3A_27 in 1 : vector<2000x16xf32>, vector<2000x16xf32>, vector<2000x16xf32>, vector<2000x16xf32> -> vector<2000x64xf32>
    %get3A_28 = arith.constant 0 : index
    %get3A_29 = arith.constant 0 : index
    %get3A_30 = vector.load %arg9[%get3A_28, %get3A_29] : memref<2000x1xf32, #tpu.memory_space<vmem>>, vector<2000x1xf32>
    %mul3A = vector.broadcast %get3A_30 : vector<2000x1xf32> to vector<2000x64xf32>
    %mul3A_31 = arith.mulf %concatenate3A, %mul3A : vector<2000x64xf32>
    %get3A_32 = arith.constant 0 : index
    %get3A_33 = arith.constant 0 : index
    %get3A_34 = vector.load %arg10[%get3A_32, %get3A_33] : memref<1x64xf32, #tpu.memory_space<vmem>>, vector<1x64xf32>
    %add3A_35 = vector.broadcast %get3A_34 : vector<1x64xf32> to vector<2000x64xf32>
    %add3A_36 = arith.addf %mul3A_31, %add3A_35 : vector<2000x64xf32>
    %max3A = arith.constant 0.000000e+00 : f32
    %max3A_37 = vector.broadcast %max3A : f32 to vector<2000x64xf32>
    %max3A_38 = arith.maximumf %add3A_36, %max3A_37 : vector<2000x64xf32>
    %get3A_39 = arith.constant 0 : index
    %get3A_40 = arith.constant 0 : index
    %get3A_41 = vector.load %arg14[%get3A_39, %get3A_40] : memref<1x64xf32, #tpu.memory_space<vmem>>, vector<1x64xf32>
    %reduce_sum3A = arith.constant dense<0.000000e+00> : vector<64xf32>
    %reduce_sum3A_42 = vector.multi_reduction <add>, %max3A_38, %reduce_sum3A [0] : vector<2000x64xf32> to vector<64xf32>
    %broadcast_in_dim3A = vector.shape_cast %reduce_sum3A_42 : vector<64xf32> to vector<1x64xf32>
    %add3A_43 = arith.addf %get3A_41, %broadcast_in_dim3A : vector<1x64xf32>
    %swap3A = arith.constant 0 : index
    %swap3A_44 = arith.constant 0 : index
    %swap3A_45 = vector.load %arg14[%swap3A, %swap3A_44] : memref<1x64xf32, #tpu.memory_space<vmem>>, vector<1x64xf32>
    tpu.vector_store %arg14[%swap3A, %swap3A_44], %add3A_43 {strides = array<i32>} : memref<1x64xf32, #tpu.memory_space<vmem>>, vector<1x64xf32>,
    %eq3A_46 = arith.constant 24 : i32
    %eq3A_47 = arith.cmpi eq, %arg0, %eq3A_46 : i32
    %convert_element_type3A_48 = arith.extui %eq3A_47 : i1 to i32
    %cond3A_49 = arith.constant 0 : i32
    %cond3A_50 = arith.cmpi ne, %convert_element_type3A_48, %cond3A_49 : i32
    scf.if %cond3A_50 {
      %get3A_51 = arith.constant 0 : index
      %get3A_52 = arith.constant 0 : index
      %get3A_53 = vector.load %arg14[%get3A_51, %get3A_52] : memref<1x64xf32, #tpu.memory_space<vmem>>, vector<1x64xf32>
      %mul3A_54 = arith.constant 2.000000e-05 : f32
      %mul3A_55 = vector.broadcast %mul3A_54 : f32 to vector<1x64xf32>
      %mul3A_56 = arith.mulf %get3A_53, %mul3A_55 : vector<1x64xf32>
      %get3A_57 = arith.constant 0 : index
      %get3A_58 = arith.constant 0 : index
      %get3A_59 = vector.load %arg11[%get3A_57, %get3A_58] : memref<64x3xf32, #tpu.memory_space<vmem>>, vector<64x3xf32>
      %dot_general3A = arith.constant dense<0.000000e+00> : vector<1x3xf32>
      %dot_general3A_60 = tpu.matmul %mul3A_56, %get3A_59, %dot_general3A {dimension_numbers = #tpu.dot_dimension_numbers<[1], [0], [0], [1], [0, 0, 1, 1], [], []>, precision = #tpu.contract_precision<fp32>, transpose_lhs_hint = false} : vector<1x64xf32>, vector<64x3xf32>, vector<1x3xf32> -> vector<1x3xf32>
      %get3A_61 = arith.constant 0 : index
      %get3A_62 = arith.constant 0 : index
      %get3A_63 = vector.load %arg12[%get3A_61, %get3A_62] : memref<1x3xf32, #tpu.memory_space<vmem>>, vector<1x3xf32>
      %add3A_64 = arith.addf %dot_general3A_60, %get3A_63 : vector<1x3xf32>
      %swap3A_65 = arith.constant 0 : index
      %swap3A_66 = arith.constant 0 : index
      %swap3A_67 = vector.load %arg13[%swap3A_65, %swap3A_66] : memref<1x3xf32, #tpu.memory_space<vmem>>, vector<1x3xf32>
      tpu.vector_store %arg13[%swap3A_65, %swap3A_66], %add3A_64 {strides = array<i32>} : memref<1x3xf32, #tpu.memory_space<vmem>>, vector<1x3xf32>,
    } else {
    }
    return
  }
  func.func @transform_0(%arg0: i32) -> (i32, i32) {
    %c0_i32 = arith.constant 0 : i32
    %c0_i32_0 = arith.constant 0 : i32
    return %arg0, %c0_i32 : i32, i32
  }
  func.func @transform_1(%arg0: i32) -> (i32, i32) {
    %c0_i32 = arith.constant 0 : i32
    %c0_i32_0 = arith.constant 0 : i32
    return %arg0, %c0_i32 : i32, i32
  }
  func.func @transform_2(%arg0: i32) -> (i32, i32) {
    %c0_i32 = arith.constant 0 : i32
    %c0_i32_0 = arith.constant 0 : i32
    return %arg0, %c0_i32 : i32, i32
  }
  func.func @transform_3(%arg0: i32) -> (i32, i32) {
    %c0_i32 = arith.constant 0 : i32
    %c0_i32_0 = arith.constant 0 : i32
    return %arg0, %c0_i32 : i32, i32
  }
  func.func @transform_4(%arg0: i32) -> (i32, i32) {
    %c0_i32 = arith.constant 0 : i32
    %c0_i32_0 = arith.constant 0 : i32
    return %arg0, %c0_i32 : i32, i32
  }
  func.func @transform_5(%arg0: i32) -> (i32, i32) {
    %c0_i32 = arith.constant 0 : i32
    %c0_i32_0 = arith.constant 0 : i32
    return %arg0, %c0_i32 : i32, i32
  }
  func.func @transform_6(%arg0: i32) -> (i32, i32) {
    %c0_i32 = arith.constant 0 : i32
    %c0_i32_0 = arith.constant 0 : i32
    return %arg0, %c0_i32 : i32, i32
  }
  func.func @transform_7(%arg0: i32) -> (i32, i32) {
    %c0_i32 = arith.constant 0 : i32
    %c0_i32_0 = arith.constant 0 : i32
    return %arg0, %c0_i32 : i32, i32
  }
  func.func @transform_8(%arg0: i32) -> (i32, i32) {
    %c0_i32 = arith.constant 0 : i32
    %c0_i32_0 = arith.constant 0 : i32
    return %arg0, %c0_i32 : i32, i32
  }
  func.func @transform_9(%arg0: i32) -> (i32, i32) {
    %c0_i32 = arith.constant 0 : i32
    %c0_i32_0 = arith.constant 0 : i32
    %c0_i32_1 = arith.constant 0 : i32
    return %c0_i32, %c0_i32_0 : i32, i32
  }
  func.func @transform_10(%arg0: i32) -> (i32, i32) {
    %c0_i32 = arith.constant 0 : i32
    %c0_i32_0 = arith.constant 0 : i32
    %c0_i32_1 = arith.constant 0 : i32
    return %c0_i32, %c0_i32_0 : i32, i32
  }
  func.func @transform_11(%arg0: i32) -> (i32, i32) {
    %c0_i32 = arith.constant 0 : i32
    %c0_i32_0 = arith.constant 0 : i32
    %c0_i32_1 = arith.constant 0 : i32
    return %c0_i32, %c0_i32_0 : i32, i32
  }
  func.func @transform_12(%arg0: i32) -> (i32, i32) {
    %c0_i32 = arith.constant 0 : i32
    %c0_i32_0 = arith.constant 0 : i32
    %c0_i32_1 = arith.constant 0 : i32
    return %c0_i32, %c0_i32_0 : i32, i32
  }
}

</mosaic_0001>

<sc_bundles>
// kernel: kernel.11.cloned.1.call-start
scs
__scs_entry_jumppad:
0x0: {  	(pc) =	sbr.rel $0x88, $3  }
0x1: {  	(tag) =	ssettag $0x0;
	lr =	simm.s32 $0x1  }
0x2: {  	[smem:$0x3F99] =	sst lr;
	_ =	strace $0xD0000000  }
0x3: {  	_ = 	snop  }
0x4: {  	_ = 	snop  }
0x5: {  	_ = 	snop  }
0x6: {  	_ = 	snop  }
0x7: {  	_ = 	snop  }
__scs_overlays_trampoline_lowered:
0x8: {  	[smem:$0x3FA8] =	sst s0  }
0x9: {  	[smem:$0x3FA9] =	sst s1  }
0xa: {  	[smem:$0x3FAA] =	sst s2  }
0xb: {  	[smem:$0x3FAB] =	sst s3  }
0xc: {  	[smem:$0x3FAC] =	sst s4  }
0xd: {  	[smem:$0x3FAD] =	sst s5  }
0xe: {  	[smem:$0x3FAE] =	sst s6  }
0xf: {  	[smem:$0x3FAF] =	sst s7  }
0x10: {  	[smem:$0x3FB0] =	sst s8  }
0x11: {  	[smem:$0x3FB1] =	sst s9;
	s0 =	simm.s32 @!p0 $0x0  }
0x12: {  	s1 =	sld [smem:$0x3F97];
	s0 =	simm.s32 @p0 $0x1  }
0x13: {  	[smem:$0x3FB2] =	sst s0;
	s0 =	simm.s32 @!p1 $0x0  }
0x14: {  	s2 =	sld [smem:$0x3F96];
	s0 =	simm.s32 @p1 $0x1  }
0x15: {  	[smem:$0x3FB3] =	sst s0;
	s0 =	simm.s32 @!p2 $0x0  }
0x16: {  	s3 =	sld [smem:$0x3FDB];
	s0 =	simm.s32 @p2 $0x1  }
0x17: {  	s4 =	simm.s32 $0x1BF5;
	[smem:$0x3FB5] =	sst s0  }
0x18: {  	s0 =	sld [smem:$0x3F98];
	_ =	swait.ge [sflag:s4], $0x0  }
0x19: {  	s7 =	sld [smem:$0x3F99]  }
0x1a: {  	s8 =	sadd.s32 $0xFFFFE003, lr  }
0x1b: {  	s9 =	sadd.s32 $0xFFFFFEF7, lr;
	s5 =	simm.s32 $0xFFFFFFFF;
	p2 =	slt.u32 s8, $0xFFFFF086  }
0x1c: {  	p1 =	slt.u32 s9, $0xF7A;
	s5 =	simm.s32 @!p2 $0x0  }
0x1d: {  	s5 =	simm.s32 @p1 $0x1;
	p0 =	seq.s32 s7, s2  }
0x1e: {  	s7 =	smul.u32 @!p0 $0xF7A, s2;
	p2 =	seq.s32 @!p0 s5, $0x0  }
0x1f: {  	s9 =	smul.u32 $0xF7A, s1;
	s8 =	simm.s32 @!p0 $0x1BF5;
	p2 =	por !p2, p0  }
0x20: {  	[sflag:s8] =	ssyncset.s32 @!p0 $0xFFFFF086;
	s6 =	sadd.s32 @!p0 s3, s7;
	s7 =	simm.s32 @!p0 $0x108  }
0x21: {  	s3 =	sadd.s32 s3, s9;
	s6 =	sadd.s32 @!p0 $0x88, s6;
	s7 =	simm.s32 @p2 $0x1082  }
0x22: {  	[simem:s7], [sflag:s8] =	dma.local @!p0 [hbm:s6], $0xF7A  }
0x23: {  	s9 =	sor.u32 $0xD0000000, s2;
	s6 =	simm.s32 $0x108;
	_ =	swait.ge @!p0 [sflag:s8], $0x0  }
0x24: {  	s3 =	sadd.s32 $0x88, s3;
	s6 =	simm.s32 @!p1 $0x1082;
	[sflag:s4] =	ssyncset.s32 $0xFFFFF086  }
0x25: {  	[simem:s6], [sflag:s4] =	dma.local [hbm:s3], $0xF7A  }
0x26: {  	[smem:$0x3F99] =	sst s1;
	(tag) =	ssettag s2;
	_ =	strace s9  }
0x27: {  	s1 =	sld [smem:$0x3FA9]  }
0x28: {  	s2 =	sld [smem:$0x3FAA]  }
0x29: {  	s4 =	sld [smem:$0x3FAC]  }
0x2a: {  	p0 =	seq.s32 s5, $0x0;
	s5 =	sld [smem:$0x3FAD]  }
0x2b: {  	s6 =	sld [smem:$0x3FAE]  }
0x2c: {  	s7 =	sld [smem:$0x3FAF]  }
0x2d: {  	s3 =	simm.s32 $0x108;
	s8 =	sld [smem:$0x3FB0]  }
0x2e: {  	s3 =	simm.s32 @!p0 $0x1082;
	s9 =	sld [smem:$0x3FB1]  }
0x2f: {  	lr =	sadd.s32 s0, s3;
	s0 =	sld [smem:$0x3FA8]  }
0x30: {  	s3 =	sld [smem:$0x3FAB]  }
0x31: {  	[smem:$0x3FB4] =	sst s10  }
0x32: {  	s10 =	sld [smem:$0x3FB2];
	_ =	sdelay $0x3  }
0x33: {  	p0 =	seq.s32 s10, $0x1;
	s10 =	sld [smem:$0x3FB4];
	_ =	sdelay $0x3  }
0x34: {  	[smem:$0x3FB4] =	sst s10  }
0x35: {  	s10 =	sld [smem:$0x3FB3];
	_ =	sdelay $0x3  }
0x36: {  	p1 =	seq.s32 s10, $0x1;
	s10 =	sld [smem:$0x3FB4];
	_ =	sdelay $0x3  }
0x37: {  	[smem:$0x3FB4] =	sst s10  }
0x38: {  	s10 =	sld [smem:$0x3FB5]  }
0x39: {  	_ = 	snop;
	(pc) =	sbr.ind lr, $3  }
0x3a: {  	_ = 	snop  }
0x3b: {  	_ = 	snop  }
0x3c: {  	p2 =	seq.s32 s10, $0x1;
	s10 =	sld [smem:$0x3FB4]  }
0x3d: {  	_ =	shalt  }
0x3e: {  	_ =	shalt  }
0x3f: {  	_ =	shalt  }
0x40: {  	_ =	shalt  }
0x41: {  	_ =	shalt  }
0x42: {  	_ =	shalt  }
0x43: {  	_ =	shalt  }
0x44: {  	_ =	shalt  }
0x45: {  	_ =	shalt  }
0x46: {  	_ =	shalt  }
0x47: {  	_ =	shalt  }
0x48: {  	_ =	shalt  }
0x49: {  	_ =	shalt  }
0x4a: {  	_ =	shalt  }
0x4b: {  	_ =	shalt  }
0x4c: {  	_ =	shalt  }
0x4d: {  	_ =	shalt  }
0x4e: {  	_ =	shalt  }
0x4f: {  	_ =	shalt  }
0x50: {  	_ =	shalt  }
0x51: {  	_ =	shalt  }
0x52: {  	_ =	shalt  }
0x53: {  	_ =	shalt  }
0x54: {  	_ =	shalt  }
0x55: {  	_ =	shalt  }
0x56: {  	_ =	shalt  }
0x57: {  	_ =	shalt  }
0x58: {  	_ =	shalt  }
0x59: {  	_ =	shalt  }
0x5a: {  	_ =	shalt  }
0x5b: {  	_ =	shalt  }
0x5c: {  	_ =	shalt  }
0x5d: {  	_ =	shalt  }
0x5e: {  	_ =	shalt  }
0x5f: {  	_ =	shalt  }
0x60: {  	_ =	shalt  }
0x61: {  	_ =	shalt  }
0x62: {  	_ =	shalt  }
0x63: {  	_ =	shalt  }
0x64: {  	_ =	shalt  }
0x65: {  	_ =	shalt  }
0x66: {  	_ =	shalt  }
0x67: {  	_ =	shalt  }
0x68: {  	_ =	shalt  }
0x69: {  	_ =	shalt  }
0x6a: {  	_ =	shalt  }
0x6b: {  	_ =	shalt  }
0x6c: {  	_ =	shalt  }
0x6d: {  	_ =	shalt  }
0x6e: {  	_ =	shalt  }
0x6f: {  	_ =	shalt  }
0x70: {  	_ =	shalt  }
0x71: {  	_ =	shalt  }
0x72: {  	_ =	shalt  }
0x73: {  	_ =	shalt  }
0x74: {  	_ =	shalt  }
0x75: {  	_ =	shalt  }
0x76: {  	_ =	shalt  }
0x77: {  	_ =	shalt  }
0x78: {  	_ =	shalt  }
0x79: {  	_ =	shalt  }
0x7a: {  	_ =	shalt  }
0x7b: {  	_ =	shalt  }
0x7c: {  	_ =	shalt  }
0x7d: {  	_ =	shalt  }
0x7e: {  	_ =	shalt  }
0x7f: {  	_ =	shalt  }
0x80: {  	_ =	shalt  }
0x81: {  	_ =	shalt  }
0x82: {  	_ =	shalt  }
0x83: {  	_ =	shalt  }
0x84: {  	_ =	shalt  }
0x85: {  	_ =	shalt  }
0x86: {  	_ =	shalt  }
0x87: {  	_ =	shalt  }
.Lfunc_end0:
.L_simem_size_0:
called_computation.1_lowered:
.L_overlay_start_0:
0x88: {  	s2 =	sld [smem:$0x3FD9]  }
0x89: {  	s3 =	sld [smem:$0x3FFE];
	_ =	sdelay $0x1  }
0x8a: {  	s1 =	srdreg.scid  }
0x8b: {  	s0 =	sand.u32 $0x1, s1  }
0x8c: {  	s16 =	sshll.u32 s0, $0xA;
	s2 =	sadd.s32 s3, s2  }
0x8d: {  	s2 =	sadd.s32 s2, s16  }
0x8e: {  	[smem:$0x3FC0] =	sst s2  }
0x8f: {  	_ = 	snop  }
0x90: {  	(tm) =	ssettm $0x1  }
0x91: {  	s17 =	sld [smem:$0x3FFB];
	_ =	sdelay $0x3  }
0x92: {  	_ =	strace s17  }
0x93: {  	s2 =	sld [smem:$0x3FFC];
	_ =	sdelay $0x3  }
0x94: {  	_ =	strace s2  }
0x95: {  	s2 =	sld [smem:$0x3FFD];
	_ =	sdelay $0x3  }
0x96: {  	_ =	strace s2  }
0x97: {  	_ =	strace $0x8FFFFFFF  }
0x98: {  	s18 =	sld [smem:$0x3FDB];
	_ =	sdelay $0x1  }
0x99: {  	s19 =	simm.s32 $_scs_section_size  }
0x9a: {  	s4 =	simm.s32 $_size__tile_overlayer_lowered;
	s5 =	simm.s32 $_tile_overlayer_lowered  }
0x9b: {  	s22 =	simm.s32 $0x1BFF;
	s21 =	sshll.u32 s5, $0x1;
	s2 =	sadd.s32 s19, s18  }
0x9c: {  	s6 =	simm.s32 $0x0;
	s20 =	sshll.u32 s4, $0x1;
	s4 =	sadd.s32 s21, s2  }
0x9d: {  	[timem:s6], [sflag:s22] =	dma.local [hbm:s4], s20  }
0x9e: {  	_ =	swait.ge [sflag:s22], s20  }
0x9f: {  	s3 =	ssub.s32 $0x0, s20;
	[sflag:s22] =	ssyncset.done $0x0  }
0xa0: {  	[sflag:s22] =	ssyncadd.s32 s3;
	_ =	sdelay $0x1  }
0xa1: {  	s23 =	simm.s32 $0x1B8B  }
0xa2: {  	_ =	swait.ge [sflag:s23], $0x1  }
0xa3: {  	[sflag:s23] =	ssyncset.done $0x0  }
0xa4: {  	s25 =	simm.s32 $0x1B8E;
	s24 =	sld [smem:$0x3FFE];
	[sflag:s23] =	ssyncadd.s32 $0xFFFFFFFF  }
0xa5: {  	s26 =	simm.s32 $execute0_lowered;
	[smem:$0x3FD2] =	sst s25  }
0xa6: {  	s4 =	sshll.u32 s26, $0x1;
	_ =	strace $0x80000049;
	[dreg:$0x1] =	wrdreg $0xFFFFFFFF  }
0xa7: {  	s28 =	simm.s32 $_size_execute0_lowered;
	s2 =	sadd.s32 s2, s4;
	[dreg:$0x0] =	wrdreg $0x0  }
0xa8: {  	s4 =	sshll.u32 s28, $0x1;
	[dreg:$0x2] =	wrdreg s2  }
0xa9: {  	[dreg:$0x3] =	wrdreg s4  }
0xaa: {  	[dreg:$0x4] =	wrdreg $0xC0  }
0xab: {  	_ =	task [dreg:s6], $0x5FFFF  }
0xac: {  	[dreg:$0x1] =	wrdreg $0xFFFFFFFF  }
0xad: {  	[dreg:$0x0] =	wrdreg $0x60  }
0xae: {  	[dreg:$0x2] =	wrdreg s24  }
0xaf: {  	[dreg:$0x3] =	wrdreg $0xC8000  }
0xb0: {  	[dreg:$0x4] =	wrdreg $0x9  }
0xb1: {  	_ =	task.clear_ibuf [dreg:s6], $0x5FFFF;
	_ =	strace $0x90000049  }
0xb2: {  	s29 =	simm.s32 $0x9;
	_ =	strace $0x8000004B  }
0xb3: {  	_ =	swait.ge [sflag:s29], $0x1  }
0xb4: {  	[sflag:s29] =	ssyncadd.s32 $0xFFFFFFFF  }
0xb5: {  	_ =	strace $0x9000004B  }
0xb6: {  	_ =	sfence  }
0xb7: {  	s30 =	sld [smem:$0x0];
	_ =	sdelay $0x2  }
0xb8: {  	s31 =	sshll.u32 s1, $0xD;
	s1 =	sshrl.u32 s1, $0x2  }
0xb9: {  	s3 =	sand.u32 $0x4000, s31;
	s1 =	sadd.s32 s1, s30  }
0xba: {  	s0 =	sor.u32 s3, s0;
	s1 =	sshll.u32 s1, $0x11  }
0xbb: {  	s0 =	sor.u32 s1, s0  }
0xbc: {  	s0 =	sadd.s32 $0x8F2B, s0  }
0xbd: {  	[sflag:s0] =	ssyncadd.remote.s32 $0x1  }
0xbe: {  	_ =	sfence.sel $0xFFFF  }
0xbf: {  	[dreg:$0x0] =	wrdreg $0xFFFFFFFF;
	(pc) =	sbr.abs _section_cstart, $3  }
0xc0: {  	[dreg:$0x1] =	wrdreg $0xFFFFFFFF  }
0xc1: {  	_ =	task.clear_ibuf [dreg:s6], $0x2FFFF;
	_ =	strace $0x9FFFFFFF  }
0xc2: {  	(tm) =	ssettm $0x7FFFFFFF  }
0xc3: {  	_ =	shalt  }
tec
execute0_lowered:
.L_overlay_start_1:
0x0: {  	(tag) =	ssettag $0x1  }
0x1: {  	s5 =	rddreg [dreg:$0x0]  }
0x2: {  	s0 =	srdreg.scid;
	s2 =	rddreg [dreg:$0x1];
	s3 =	simm.s32 $0x0  }
0x3: {  	s13 =	simm.s32 $0x6200;
	s14 =	simm.s32 $0x80;
	s15 =	simm.s32 $0xC400  }
0x4: {  	s16 =	simm.s32 $0x0;
	s6 =	sand.u32 $0x1, s0;
	s0 =	stileid.u32  }
0x5: {  	[smem:$0x7FF] =	sst s3;
	s1 =	sshll.u32 s6, $0x4;
	s7 =	smul.u32 $0x6200, s0  }
0x6: {  	s10 =	ssub.s32 $0x2, s6;
	s31 =	sshll.u32 s0, $0x6;
	p0 =	seq.s32 s6, $0x1  }
0x7: {  	s4 =	sor.u32 s0, s1;
	s1 =	rddreg [dreg:$0x2];
	_ =	strace $0x8000004A  }
0x8: {  	s29 =	sshrl.u32 s10, $0x1;
	s6 =	sor.u32 $0x1C01, s31;
	s4 =	smul.u32 $0xC40, s4  }
0x9: {  	s9 =	sshrl.u32 s7, $0x3;
	s30 =	ssub.s32 s10, s29;
	s10 =	simm.s32 $0x41C00  }
0xa: {  	s12 =	sadd.s32 s7, s2;
	s11 =	sadd.s32 s9, s5;
	s10 =	simm.s32 @!p0 $0x35800  }
0xb: {  	s9 =	smax.u32 s30, $0x1;
	s8 =	sadd.s32 s4, s5;
	s4 =	sadd.s32 $0x29400, s5  }
0xc: {  	s5 =	sadd.s32 $0x1D000, s11;
	s10 =	sadd.s32 s10, s11;
	s11 =	sshrl.u32 s12, $0x3  }
0xd: {  	s12 =	simm.s32 $0x1;
	s7 =	sadd.s32 $0x105400, s8;
	s8 =	sadd.s32 $0x4800, s8  }
.LBB2_1:
0xe: {  	[spmem:s11], [sflag:s6] =	dma.local [hbm:s5], $0xC40  }
0xf: {  	_ =	swait.ge [sflag:s12], $0xC40  }
0x10: {  	[sflag:s12] =	ssyncset.done $0x0  }
0x11: {  	[sflag:s12] =	ssyncadd.s32 $0xFFFFF3C0  }
0x12: {  	[bflag:$0x0] =	sbarrier.arrive $0xFFFF  }
0x13: {  	[tilespmem:s3], [sflag:$0x1] =	stream.linear.gather [hbm4b:s7+s3], $0x6200, $0x38;
	[tilespmem:$0xF900] =	vst v63  }
0x14: {  	_ =	swait.ge [sflag:s12], $0x6200  }
0x15: {  	[sflag:s12] =	ssyncset.done $0x0  }
0x16: {  	[sflag:s12] =	ssyncadd.s32 $0xFFFF9E00  }
0x17: {  	[tilespmem:s13], [sflag:$0x1] =	stream.linear.gather [hbm4b:s8+s3], $0x6200, $0x38;
	[tilespmem:$0xF900] =	vst v63  }
0x18: {  	_ =	swait.ge [sflag:s12], $0x6200  }
0x19: {  	[sflag:s12] =	ssyncset.done $0x0  }
0x1a: {  	s17 =	simm.s32 $0x0;
	[sflag:s12] =	ssyncadd.s32 $0xFFFF9E00  }
0x1b: {  	[tilespmem:s15], [sflag:$0x1] =	stream.indirect.gather [hbm4b:s4+s14], $0x4, s17, s14, $0xb8;
	[tilespmem:$0xF900] =	vst v63  }
0x1c: {  	_ =	swait.ge [sflag:s12], $0x200  }
0x1d: {  	[sflag:s12] =	ssyncset.done $0x0  }
0x1e: {  	s31 =	simm.s32 $0x6200;
	[sflag:s12] =	ssyncadd.s32 $0xFFFFFE00  }
0x1f: {  	[spmem:s2] =	stream.indirect.scatter.add.f32 [tilespmem:s15], [sflag:$0x1], $0x4, s31, s14, $0xb8;
	[tilespmem:$0xF900] =	vst v63  }
0x20: {  	_ =	swait.ge [sflag:s12], $0x200  }
0x21: {  	s18 =	simm.s32 $0x400;
	s17 =	simm.s32 $0x200;
	[sflag:s12] =	ssyncset.done $0x0  }
.LBB2_2:
0x22: {  	s19 =	sshra.s32 s17, $0x2  }
0x23: {  	[sflag:s12] =	ssyncadd.s32 $0xFFFFFE00;
	s17 =	smov.u32 s18;
	s20 =	sadd.s32 $0x200, s18  }
0x24: {  	[tilespmem:s15], [sflag:$0x1] =	stream.indirect.gather [hbm4b:s4+s14], $0x4, s19, s14, $0xb8;
	[tilespmem:$0xF900] =	vst v63  }
0x25: {  	p0 =	sne.s32 s18, $0x18600;
	_ =	swait.ge [sflag:s12], $0x200  }
.Ltmp0:
0x26: {  	[sflag:s12] =	ssyncset.done $0x0;
	(pc) =	sbr.rel @p0 .LBB2_2-.Ltmp0, $4  }
0x27: {  	s18 =	sadd.s32 $0x6200, s19;
	[sflag:s12] =	ssyncadd.s32 $0xFFFFFE00  }
0x28: {  	[spmem:s2] =	stream.indirect.scatter.add.f32 [tilespmem:s15], [sflag:$0x1], $0x4, s18, s14, $0xb8;
	[tilespmem:$0xF900] =	vst v63  }
0x29: {  	_ =	swait.ge [sflag:s12], $0x200  }
0x2a: {  	s18 =	smov.u32 s20;
	[sflag:s12] =	ssyncset.done $0x0  }
0x2b: {  	s17 =	sshra.s32 s17, $0x2;
	[sflag:s12] =	ssyncadd.s32 $0xFFFFFE00  }
0x2c: {  	[tilespmem:s15], [sflag:$0x1] =	stream.indirect.gather [hbm4b:s4+s14], $0x4, s17, s14, $0xb8;
	[tilespmem:$0xF900] =	vst v63  }
0x2d: {  	_ =	swait.ge [sflag:s12], $0x200  }
0x2e: {  	[sflag:s12] =	ssyncset.done $0x0  }
0x2f: {  	s17 =	sadd.s32 $0x6200, s17;
	[sflag:s12] =	ssyncadd.s32 $0xFFFFFE00  }
0x30: {  	[spmem:s2] =	stream.indirect.scatter.add.f32 [tilespmem:s15], [sflag:$0x1], $0x4, s17, s14, $0xb8;
	[tilespmem:$0xF900] =	vst v63  }
0x31: {  	_ =	swait.ge [sflag:s12], $0x200  }
0x32: {  	s16 =	sadd.s32 $0x1, s16;
	[sflag:s12] =	ssyncset.done $0x0  }
0x33: {  	p0 =	sne.s32 s16, s9;
	[sflag:s12] =	ssyncadd.s32 $0xFFFFFE00  }
.Ltmp1:
0x34: {  	[bflag:$0x0] =	sbarrier.arrive $0xFFFF;
	(pc) =	sbr.rel @p0 .LBB2_1-.Ltmp1, $4  }
0x35: {  	[hbm:s10], [sflag:s6] =	dma.local [spmem:s11], $0xC40  }
0x36: {  	_ =	swait.ge [sflag:s12], $0xC40  }
0x37: {  	[sflag:s12] =	ssyncset.done $0x0  }
0x38: {  	[sflag:s12] =	ssyncadd.s32 $0xFFFFF3C0  }
0x39: {  	_ =	sfence.sel $0x180000  }
0x3a: {  	[bflag:$0x0] =	sbarrier.arrive $0xFFFF  }
0x3b: {  	p0 =	sne.s32 s0, $0x0;
	_ =	strace $0x9000004A  }
0x3c: {  	s0 =	sadd.s32 @!p0 $0x100000, s1;
	[bflag:$0x2] =	sbarrier.arrive $0xFFFF  }
0x3d: {  	[sflag:s0] =	ssyncadd.tile.s32 @!p0 $0x1;
	_ =	shalt  }
.Lfunc_end2:
_tile_overlayer_lowered:
.L_overlay_start_2:
0x3e: {  	(tag) =	ssettag $0x2  }
0x3f: {  	s0 =	rddreg [dreg:$0x0];
	s2 =	stileid.u32  }
0x40: {  	s1 =	rddreg [dreg:$0x1];
	p0 =	sne.s32 s2, $0x0  }
0x41: {  	s3 =	rddreg [dreg:$0x2];
	[bflag:$0x3] =	sbarrier.arrive $0xFFFF;
	s2 =	simm.s32 @!p0 $0x1C01  }
0x42: {  	[timem:s3], [sflag:s2] =	dma.local @!p0 [hbm:s0], s1  }
0x43: {  	s0 =	simm.s32 @!p0 $0x1  }
0x44: {  	_ =	swait.ge @!p0 [sflag:s0], s1  }
0x45: {  	s1 =	ssub.s32 @!p0 $0x0, s1;
	[sflag:s0] =	ssyncset.done @!p0 $0x0  }
0x46: {  	[sflag:s0] =	ssyncadd.s32 @!p0 s1  }
0x47: {  	[bflag:$0x3] =	sbarrier.arrive $0xFFFF  }
0x48: {  	_ =	shalt  }

// kernel: kernel.14.cloned.1.call-start
scs
__scs_entry_jumppad:
0x0: {  	(pc) =	sbr.rel $0x88, $3  }
0x1: {  	(tag) =	ssettag $0x0;
	lr =	simm.s32 $0x1  }
0x2: {  	[smem:$0x3F99] =	sst lr;
	_ =	strace $0xD0000000  }
0x3: {  	_ = 	snop  }
0x4: {  	_ = 	snop  }
0x5: {  	_ = 	snop  }
0x6: {  	_ = 	snop  }
0x7: {  	_ = 	snop  }
__scs_overlays_trampoline_lowered:
0x8: {  	[smem:$0x3FA8] =	sst s0  }
0x9: {  	[smem:$0x3FA9] =	sst s1  }
0xa: {  	[smem:$0x3FAA] =	sst s2  }
0xb: {  	[smem:$0x3FAB] =	sst s3  }
0xc: {  	[smem:$0x3FAC] =	sst s4  }
0xd: {  	[smem:$0x3FAD] =	sst s5  }
0xe: {  	[smem:$0x3FAE] =	sst s6  }
0xf: {  	[smem:$0x3FAF] =	sst s7  }
0x10: {  	[smem:$0x3FB0] =	sst s8  }
0x11: {  	[smem:$0x3FB1] =	sst s9;
	s0 =	simm.s32 @!p0 $0x0  }
0x12: {  	s1 =	sld [smem:$0x3F97];
	s0 =	simm.s32 @p0 $0x1  }
0x13: {  	[smem:$0x3FB2] =	sst s0;
	s0 =	simm.s32 @!p1 $0x0  }
0x14: {  	s2 =	sld [smem:$0x3F96];
	s0 =	simm.s32 @p1 $0x1  }
0x15: {  	[smem:$0x3FB3] =	sst s0;
	s0 =	simm.s32 @!p2 $0x0  }
0x16: {  	s3 =	sld [smem:$0x3FDB];
	s0 =	simm.s32 @p2 $0x1  }
0x17: {  	s4 =	simm.s32 $0x1BF5;
	[smem:$0x3FB5] =	sst s0  }
0x18: {  	s0 =	sld [smem:$0x3F98];
	_ =	swait.ge [sflag:s4], $0x0  }
0x19: {  	s7 =	sld [smem:$0x3F99]  }
0x1a: {  	s8 =	sadd.s32 $0xFFFFE003, lr  }
0x1b: {  	s9 =	sadd.s32 $0xFFFFFEF7, lr;
	s5 =	simm.s32 $0xFFFFFFFF;
	p2 =	slt.u32 s8, $0xFFFFF086  }
0x1c: {  	p1 =	slt.u32 s9, $0xF7A;
	s5 =	simm.s32 @!p2 $0x0  }
0x1d: {  	s5 =	simm.s32 @p1 $0x1;
	p0 =	seq.s32 s7, s2  }
0x1e: {  	s7 =	smul.u32 @!p0 $0xF7A, s2;
	p2 =	seq.s32 @!p0 s5, $0x0  }
0x1f: {  	s9 =	smul.u32 $0xF7A, s1;
	s8 =	simm.s32 @!p0 $0x1BF5;
	p2 =	por !p2, p0  }
0x20: {  	[sflag:s8] =	ssyncset.s32 @!p0 $0xFFFFF086;
	s6 =	sadd.s32 @!p0 s3, s7;
	s7 =	simm.s32 @!p0 $0x108  }
0x21: {  	s3 =	sadd.s32 s3, s9;
	s6 =	sadd.s32 @!p0 $0x88, s6;
	s7 =	simm.s32 @p2 $0x1082  }
0x22: {  	[simem:s7], [sflag:s8] =	dma.local @!p0 [hbm:s6], $0xF7A  }
0x23: {  	s9 =	sor.u32 $0xD0000000, s2;
	s6 =	simm.s32 $0x108;
	_ =	swait.ge @!p0 [sflag:s8], $0x0  }
0x24: {  	s3 =	sadd.s32 $0x88, s3;
	s6 =	simm.s32 @!p1 $0x1082;
	[sflag:s4] =	ssyncset.s32 $0xFFFFF086  }
0x25: {  	[simem:s6], [sflag:s4] =	dma.local [hbm:s3], $0xF7A  }
0x26: {  	[smem:$0x3F99] =	sst s1;
	(tag) =	ssettag s2;
	_ =	strace s9  }
0x27: {  	s1 =	sld [smem:$0x3FA9]  }
0x28: {  	s2 =	sld [smem:$0x3FAA]  }
0x29: {  	s4 =	sld [smem:$0x3FAC]  }
0x2a: {  	p0 =	seq.s32 s5, $0x0;
	s5 =	sld [smem:$0x3FAD]  }
0x2b: {  	s6 =	sld [smem:$0x3FAE]  }
0x2c: {  	s7 =	sld [smem:$0x3FAF]  }
0x2d: {  	s3 =	simm.s32 $0x108;
	s8 =	sld [smem:$0x3FB0]  }
0x2e: {  	s3 =	simm.s32 @!p0 $0x1082;
	s9 =	sld [smem:$0x3FB1]  }
0x2f: {  	lr =	sadd.s32 s0, s3;
	s0 =	sld [smem:$0x3FA8]  }
0x30: {  	s3 =	sld [smem:$0x3FAB]  }
0x31: {  	[smem:$0x3FB4] =	sst s10  }
0x32: {  	s10 =	sld [smem:$0x3FB2];
	_ =	sdelay $0x3  }
0x33: {  	p0 =	seq.s32 s10, $0x1;
	s10 =	sld [smem:$0x3FB4];
	_ =	sdelay $0x3  }
0x34: {  	[smem:$0x3FB4] =	sst s10  }
0x35: {  	s10 =	sld [smem:$0x3FB3];
	_ =	sdelay $0x3  }
0x36: {  	p1 =	seq.s32 s10, $0x1;
	s10 =	sld [smem:$0x3FB4];
	_ =	sdelay $0x3  }
0x37: {  	[smem:$0x3FB4] =	sst s10  }
0x38: {  	s10 =	sld [smem:$0x3FB5]  }
0x39: {  	_ = 	snop;
	(pc) =	sbr.ind lr, $3  }
0x3a: {  	_ = 	snop  }
0x3b: {  	_ = 	snop  }
0x3c: {  	p2 =	seq.s32 s10, $0x1;
	s10 =	sld [smem:$0x3FB4]  }
0x3d: {  	_ =	shalt  }
0x3e: {  	_ =	shalt  }
0x3f: {  	_ =	shalt  }
0x40: {  	_ =	shalt  }
0x41: {  	_ =	shalt  }
0x42: {  	_ =	shalt  }
0x43: {  	_ =	shalt  }
0x44: {  	_ =	shalt  }
0x45: {  	_ =	shalt  }
0x46: {  	_ =	shalt  }
0x47: {  	_ =	shalt  }
0x48: {  	_ =	shalt  }
0x49: {  	_ =	shalt  }
0x4a: {  	_ =	shalt  }
0x4b: {  	_ =	shalt  }
0x4c: {  	_ =	shalt  }
0x4d: {  	_ =	shalt  }
0x4e: {  	_ =	shalt  }
0x4f: {  	_ =	shalt  }
0x50: {  	_ =	shalt  }
0x51: {  	_ =	shalt  }
0x52: {  	_ =	shalt  }
0x53: {  	_ =	shalt  }
0x54: {  	_ =	shalt  }
0x55: {  	_ =	shalt  }
0x56: {  	_ =	shalt  }
0x57: {  	_ =	shalt  }
0x58: {  	_ =	shalt  }
0x59: {  	_ =	shalt  }
0x5a: {  	_ =	shalt  }
0x5b: {  	_ =	shalt  }
0x5c: {  	_ =	shalt  }
0x5d: {  	_ =	shalt  }
0x5e: {  	_ =	shalt  }
0x5f: {  	_ =	shalt  }
0x60: {  	_ =	shalt  }
0x61: {  	_ =	shalt  }
0x62: {  	_ =	shalt  }
0x63: {  	_ =	shalt  }
0x64: {  	_ =	shalt  }
0x65: {  	_ =	shalt  }
0x66: {  	_ =	shalt  }
0x67: {  	_ =	shalt  }
0x68: {  	_ =	shalt  }
0x69: {  	_ =	shalt  }
0x6a: {  	_ =	shalt  }
0x6b: {  	_ =	shalt  }
0x6c: {  	_ =	shalt  }
0x6d: {  	_ =	shalt  }
0x6e: {  	_ =	shalt  }
0x6f: {  	_ =	shalt  }
0x70: {  	_ =	shalt  }
0x71: {  	_ =	shalt  }
0x72: {  	_ =	shalt  }
0x73: {  	_ =	shalt  }
0x74: {  	_ =	shalt  }
0x75: {  	_ =	shalt  }
0x76: {  	_ =	shalt  }
0x77: {  	_ =	shalt  }
0x78: {  	_ =	shalt  }
0x79: {  	_ =	shalt  }
0x7a: {  	_ =	shalt  }
0x7b: {  	_ =	shalt  }
0x7c: {  	_ =	shalt  }
0x7d: {  	_ =	shalt  }
0x7e: {  	_ =	shalt  }
0x7f: {  	_ =	shalt  }
0x80: {  	_ =	shalt  }
0x81: {  	_ =	shalt  }
0x82: {  	_ =	shalt  }
0x83: {  	_ =	shalt  }
0x84: {  	_ =	shalt  }
0x85: {  	_ =	shalt  }
0x86: {  	_ =	shalt  }
0x87: {  	_ =	shalt  }
.Lfunc_end0:
.L_simem_size_0:
called_computation.2_lowered:
.L_overlay_start_0:
0x88: {  	s2 =	sld [smem:$0x3FD9]  }
0x89: {  	s3 =	sld [smem:$0x3FFE];
	_ =	sdelay $0x1  }
0x8a: {  	s1 =	srdreg.scid  }
0x8b: {  	s0 =	sand.u32 $0x1, s1  }
0x8c: {  	s16 =	sshll.u32 s0, $0xA;
	s2 =	sadd.s32 s3, s2  }
0x8d: {  	s2 =	sadd.s32 s2, s16  }
0x8e: {  	[smem:$0x3FC0] =	sst s2  }
0x8f: {  	_ = 	snop  }
0x90: {  	(tm) =	ssettm $0x1  }
0x91: {  	s17 =	sld [smem:$0x3FFB];
	_ =	sdelay $0x3  }
0x92: {  	_ =	strace s17  }
0x93: {  	s2 =	sld [smem:$0x3FFC];
	_ =	sdelay $0x3  }
0x94: {  	_ =	strace s2  }
0x95: {  	s2 =	sld [smem:$0x3FFD];
	_ =	sdelay $0x3  }
0x96: {  	_ =	strace s2  }
0x97: {  	_ =	strace $0x8FFFFFFF  }
0x98: {  	s18 =	sld [smem:$0x3FDB];
	_ =	sdelay $0x1  }
0x99: {  	s19 =	simm.s32 $_scs_section_size  }
0x9a: {  	s4 =	simm.s32 $_size__tile_overlayer_lowered;
	s5 =	simm.s32 $_tile_overlayer_lowered  }
0x9b: {  	s22 =	simm.s32 $0x1BFF;
	s21 =	sshll.u32 s5, $0x1;
	s2 =	sadd.s32 s19, s18  }
0x9c: {  	s6 =	simm.s32 $0x0;
	s20 =	sshll.u32 s4, $0x1;
	s4 =	sadd.s32 s21, s2  }
0x9d: {  	[timem:s6], [sflag:s22] =	dma.local [hbm:s4], s20  }
0x9e: {  	_ =	swait.ge [sflag:s22], s20  }
0x9f: {  	s3 =	ssub.s32 $0x0, s20;
	[sflag:s22] =	ssyncset.done $0x0  }
0xa0: {  	[sflag:s22] =	ssyncadd.s32 s3;
	_ =	sdelay $0x1  }
0xa1: {  	s23 =	simm.s32 $0x1B8B  }
0xa2: {  	_ =	swait.ge [sflag:s23], $0x1  }
0xa3: {  	[sflag:s23] =	ssyncset.done $0x0  }
0xa4: {  	s25 =	simm.s32 $0x1B8E;
	s24 =	sld [smem:$0x3FFE];
	[sflag:s23] =	ssyncadd.s32 $0xFFFFFFFF  }
0xa5: {  	s26 =	simm.s32 $execute0_lowered;
	[smem:$0x3FD2] =	sst s25  }
0xa6: {  	s4 =	sshll.u32 s26, $0x1;
	_ =	strace $0x8000004C;
	[dreg:$0x1] =	wrdreg $0xFFFFFFFF  }
0xa7: {  	s28 =	simm.s32 $_size_execute0_lowered;
	s2 =	sadd.s32 s2, s4;
	[dreg:$0x0] =	wrdreg $0x0  }
0xa8: {  	s4 =	sshll.u32 s28, $0x1;
	[dreg:$0x2] =	wrdreg s2  }
0xa9: {  	[dreg:$0x3] =	wrdreg s4  }
0xaa: {  	[dreg:$0x4] =	wrdreg $0xC0  }
0xab: {  	_ =	task [dreg:s6], $0x5FFFF  }
0xac: {  	[dreg:$0x1] =	wrdreg $0xFFFFFFFF  }
0xad: {  	[dreg:$0x0] =	wrdreg $0x60  }
0xae: {  	[dreg:$0x2] =	wrdreg s24  }
0xaf: {  	[dreg:$0x3] =	wrdreg $0xCC000  }
0xb0: {  	[dreg:$0x4] =	wrdreg $0x9  }
0xb1: {  	_ =	task.clear_ibuf [dreg:s6], $0x5FFFF;
	_ =	strace $0x9000004C  }
0xb2: {  	s29 =	simm.s32 $0x9;
	_ =	strace $0x8000004E  }
0xb3: {  	_ =	swait.ge [sflag:s29], $0x1  }
0xb4: {  	[sflag:s29] =	ssyncadd.s32 $0xFFFFFFFF  }
0xb5: {  	_ =	strace $0x9000004E  }
0xb6: {  	_ =	sfence  }
0xb7: {  	s30 =	sld [smem:$0x0];
	_ =	sdelay $0x2  }
0xb8: {  	s31 =	sshll.u32 s1, $0xD;
	s1 =	sshrl.u32 s1, $0x2  }
0xb9: {  	s3 =	sand.u32 $0x4000, s31;
	s1 =	sadd.s32 s1, s30  }
0xba: {  	s0 =	sor.u32 s3, s0;
	s1 =	sshll.u32 s1, $0x11  }
0xbb: {  	s0 =	sor.u32 s1, s0  }
0xbc: {  	s0 =	sadd.s32 $0x8F2B, s0  }
0xbd: {  	[sflag:s0] =	ssyncadd.remote.s32 $0x1  }
0xbe: {  	_ =	sfence.sel $0xFFFF  }
0xbf: {  	[dreg:$0x0] =	wrdreg $0xFFFFFFFF;
	(pc) =	sbr.abs _section_cstart, $3  }
0xc0: {  	[dreg:$0x1] =	wrdreg $0xFFFFFFFF  }
0xc1: {  	_ =	task.clear_ibuf [dreg:s6], $0x2FFFF;
	_ =	strace $0x9FFFFFFF  }
0xc2: {  	(tm) =	ssettm $0x7FFFFFFF  }
0xc3: {  	_ =	shalt  }
tec
execute0_lowered:
.L_overlay_start_1:
0x0: {  	(tag) =	ssettag $0x1  }
0x1: {  	s10 =	rddreg [dreg:$0x0]  }
0x2: {  	s1 =	rddreg [dreg:$0x1]  }
0x3: {  	s0 =	rddreg [dreg:$0x2];
	s2 =	simm.s32 $0x0  }
0x4: {  	s3 =	stileid.u32;
	s7 =	srdreg.scid;
	s21 =	simm.s32 $0x1  }
0x5: {  	s22 =	simm.s32 $0x6200;
	s24 =	simm.s32 $0xC400;
	[smem:$0x7FF] =	sst s2  }
0x6: {  	s23 =	simm.s32 $0x80;
	s17 =	sadd.s32 $0x105400, s10;
	s4 =	sadd.s32 $0x14EC00, s10  }
0x7: {  	s18 =	sadd.s32 $0x4800, s10;
	s11 =	smul.u32 $0xC400, s3;
	s5 =	sadd.s32 $0x136400, s10  }
0x8: {  	s6 =	sadd.s32 $0x11DC00, s10;
	s12 =	sand.u32 $0x1, s7;
	s7 =	sadd.s32 $0xE0600, s10  }
0x9: {  	s9 =	sadd.s32 $0x1B0C00, s10;
	s19 =	smul.u32 $0x1880, s3;
	s31 =	sshll.u32 s3, $0x6  }
0xa: {  	_ =	strace $0x8000004D;
	s13 =	ssub.s32 $0x2, s12;
	p0 =	seq.s32 s12, $0x1  }
0xb: {  	s8 =	sshrl.u32 s11, $0x3;
	s15 =	sshrl.u32 s13, $0x1;
	s20 =	sadd.s32 s11, s1  }
.Ltmp0:
0xc: {  	s16 =	sadd.s32 s18, s19;
	s14 =	sadd.s32 s8, s10;
	(pc) =	sbr.rel .LBB2_1-.Ltmp0, $4  }
0xd: {  	s10 =	sadd.s32 $0x17FC00, s10;
	s15 =	ssub.s32 s13, s15;
	s11 =	sadd.s32 $0x167400, s14  }
0xe: {  	s20 =	sshrl.u32 s20, $0x3;
	s12 =	sadd.s32 $0x1C9400, s14;
	s13 =	sadd.s32 $0x198400, s14  }
0xf: {  	s14 =	smax.u32 s15, $0x1;
	s15 =	sadd.s32 s17, s19;
	s19 =	sadd.s32 $0xC40, s19  }
0x10: {  	s17 =	sadd.s32 s17, s19;
	s18 =	sadd.s32 s18, s19;
	s19 =	sor.u32 $0x1C01, s31  }
.LBB2_19:
0x11: {  	s25 =	sshra.s32 s25, $0x2;
	[sflag:s21] =	ssyncadd.s32 $0xFFFFF800  }
0x12: {  	[tilespmem:s24], [sflag:$0x1] =	stream.indirect.gather [hbm4b:s7+s23], $0x10, s25, s23, $0xb8;
	[tilespmem:$0x19000] =	vst v63  }
0x13: {  	_ =	swait.ge [sflag:s21], $0x800  }
0x14: {  	[sflag:s21] =	ssyncset.done $0x0  }
0x15: {  	s25 =	sadd.s32 $0x6200, s25;
	[sflag:s21] =	ssyncadd.s32 $0xFFFFF800  }
0x16: {  	[spmem:s1] =	stream.indirect.scatter.add.f32 [tilespmem:s24], [sflag:$0x1], $0x10, s25, s23, $0xb8;
	[tilespmem:$0x19000] =	vst v63  }
0x17: {  	_ =	swait.ge [sflag:s21], $0x800  }
0x18: {  	[sflag:s21] =	ssyncset.done $0x0  }
0x19: {  	s25 =	smov.u32 s10;
	[sflag:s21] =	ssyncadd.s32 $0xFFFFF800  }
.LBB2_20:
0x1a: {  	s25 =	sadd.s32 s25, s8;
	[bflag:$0x0] =	sbarrier.arrive $0xFFFF;
	s2 =	sadd.s32 $0x1, s2  }
0x1b: {  	[hbm:s25], [sflag:s19] =	dma.local [spmem:s20], $0x1880  }
0x1c: {  	p1 =	sne.s32 s2, s14  }
.Ltmp1:
0x1d: {  	_ =	swait.ge [sflag:s21], $0x1880;
	(pc) =	sbr.rel @!p1 .LBB2_21-.Ltmp1, $3  }
0x1e: {  	[sflag:s21] =	ssyncset.done $0x0  }
0x1f: {  	[sflag:s21] =	ssyncadd.s32 $0xFFFFE780  }
0x20: {  	[bflag:$0x0] =	sbarrier.arrive $0xFFFF;
	_ =	sdelay $0x1  }
.LBB2_1:
0x21: {  	[spmem:s20], [sflag:s19] =	dma.local [hbm:s11], $0x1880  }
.Ltmp2:
0x22: {  	_ =	swait.ge [sflag:s21], $0x1880;
	(pc) =	sbr.rel @!p0 .LBB2_2-.Ltmp2, $4  }
0x23: {  	[sflag:s21] =	ssyncset.done $0x0  }
0x24: {  	[sflag:s21] =	ssyncadd.s32 $0xFFFFE780  }
0x25: {  	[bflag:$0x0] =	sbarrier.arrive $0xFFFF  }
0x26: {  	s25 =	simm.s32 $0x0  }
0x27: {  	[tilespmem:s25], [sflag:$0x1] =	stream.linear.gather [hbm4b:s15+s25], $0x6200, $0x38;
	[tilespmem:$0x19000] =	vst v63  }
0x28: {  	_ =	swait.ge [sflag:s21], $0x6200  }
0x29: {  	[sflag:s21] =	ssyncset.done $0x0  }
0x2a: {  	[sflag:s21] =	ssyncadd.s32 $0xFFFF9E00  }
0x2b: {  	[tilespmem:s22], [sflag:$0x1] =	stream.linear.gather [hbm4b:s16+s25], $0x6200, $0x38;
	[tilespmem:$0x19000] =	vst v63  }
0x2c: {  	_ =	swait.ge [sflag:s21], $0x6200  }
0x2d: {  	[sflag:s21] =	ssyncset.done $0x0  }
0x2e: {  	s30 =	simm.s32 $0x0;
	[sflag:s21] =	ssyncadd.s32 $0xFFFF9E00  }
0x2f: {  	[tilespmem:s24], [sflag:$0x1] =	stream.indirect.gather [hbm4b:s6+s23], $0x10, s30, s23, $0xb8;
	[tilespmem:$0x19000] =	vst v63  }
0x30: {  	_ =	swait.ge [sflag:s21], $0x800  }
0x31: {  	[sflag:s21] =	ssyncset.done $0x0  }
0x32: {  	s31 =	simm.s32 $0x6200;
	[sflag:s21] =	ssyncadd.s32 $0xFFFFF800  }
0x33: {  	[spmem:s1] =	stream.indirect.scatter.add.f32 [tilespmem:s24], [sflag:$0x1], $0x10, s31, s23, $0xb8;
	[tilespmem:$0x19000] =	vst v63  }
0x34: {  	_ =	swait.ge [sflag:s21], $0x800  }
0x35: {  	s26 =	simm.s32 $0x400;
	s25 =	simm.s32 $0x200;
	[sflag:s21] =	ssyncset.done $0x0  }
.LBB2_12:
0x36: {  	s28 =	sshra.s32 s25, $0x2  }
0x37: {  	[sflag:s21] =	ssyncadd.s32 $0xFFFFF800;
	s25 =	smov.u32 s26;
	s29 =	sadd.s32 $0x200, s26  }
0x38: {  	[tilespmem:s24], [sflag:$0x1] =	stream.indirect.gather [hbm4b:s6+s23], $0x10, s28, s23, $0xb8;
	[tilespmem:$0x19000] =	vst v63  }
0x39: {  	p1 =	sne.s32 s26, $0x18600;
	_ =	swait.ge [sflag:s21], $0x800  }
.Ltmp3:
0x3a: {  	[sflag:s21] =	ssyncset.done $0x0;
	(pc) =	sbr.rel @p1 .LBB2_12-.Ltmp3, $4  }
0x3b: {  	s26 =	sadd.s32 $0x6200, s28;
	[sflag:s21] =	ssyncadd.s32 $0xFFFFF800  }
0x3c: {  	[spmem:s1] =	stream.indirect.scatter.add.f32 [tilespmem:s24], [sflag:$0x1], $0x10, s26, s23, $0xb8;
	[tilespmem:$0x19000] =	vst v63  }
0x3d: {  	_ =	swait.ge [sflag:s21], $0x800  }
0x3e: {  	s26 =	smov.u32 s29;
	[sflag:s21] =	ssyncset.done $0x0  }
0x3f: {  	s25 =	sshra.s32 s25, $0x2;
	[sflag:s21] =	ssyncadd.s32 $0xFFFFF800  }
0x40: {  	[tilespmem:s24], [sflag:$0x1] =	stream.indirect.gather [hbm4b:s6+s23], $0x10, s25, s23, $0xb8;
	[tilespmem:$0x19000] =	vst v63  }
0x41: {  	_ =	swait.ge [sflag:s21], $0x800  }
0x42: {  	[sflag:s21] =	ssyncset.done $0x0  }
0x43: {  	s25 =	sadd.s32 $0x6200, s25;
	[sflag:s21] =	ssyncadd.s32 $0xFFFFF800  }
0x44: {  	[spmem:s1] =	stream.indirect.scatter.add.f32 [tilespmem:s24], [sflag:$0x1], $0x10, s25, s23, $0xb8;
	[tilespmem:$0x19000] =	vst v63  }
0x45: {  	_ =	swait.ge [sflag:s21], $0x800  }
0x46: {  	[sflag:s21] =	ssyncset.done $0x0  }
0x47: {  	s29 =	simm.s32 $0x0;
	[sflag:s21] =	ssyncadd.s32 $0xFFFFF800  }
0x48: {  	[tilespmem:s29], [sflag:$0x1] =	stream.linear.gather [hbm4b:s17+s29], $0x6200, $0x38;
	[tilespmem:$0x19000] =	vst v63  }
0x49: {  	_ =	swait.ge [sflag:s21], $0x6200  }
0x4a: {  	[sflag:s21] =	ssyncset.done $0x0  }
0x4b: {  	[sflag:s21] =	ssyncadd.s32 $0xFFFF9E00  }
0x4c: {  	[tilespmem:s22], [sflag:$0x1] =	stream.linear.gather [hbm4b:s18+s29], $0x6200, $0x38;
	[tilespmem:$0x19000] =	vst v63  }
0x4d: {  	_ =	swait.ge [sflag:s21], $0x6200  }
0x4e: {  	[sflag:s21] =	ssyncset.done $0x0  }
0x4f: {  	s30 =	simm.s32 $0x0;
	[sflag:s21] =	ssyncadd.s32 $0xFFFF9E00  }
0x50: {  	[tilespmem:s24], [sflag:$0x1] =	stream.indirect.gather [hbm4b:s6+s23], $0x10, s30, s23, $0xb8;
	[tilespmem:$0x19000] =	vst v63  }
0x51: {  	_ =	swait.ge [sflag:s21], $0x800  }
0x52: {  	[sflag:s21] =	ssyncset.done $0x0  }
0x53: {  	s31 =	simm.s32 $0x6200;
	[sflag:s21] =	ssyncadd.s32 $0xFFFFF800  }
0x54: {  	[spmem:s1] =	stream.indirect.scatter.add.f32 [tilespmem:s24], [sflag:$0x1], $0x10, s31, s23, $0xb8;
	[tilespmem:$0x19000] =	vst v63  }
0x55: {  	_ =	swait.ge [sflag:s21], $0x800  }
0x56: {  	s26 =	simm.s32 $0x400;
	s25 =	simm.s32 $0x200;
	[sflag:s21] =	ssyncset.done $0x0  }
.LBB2_14:
0x57: {  	s28 =	sshra.s32 s25, $0x2  }
0x58: {  	[sflag:s21] =	ssyncadd.s32 $0xFFFFF800;
	s25 =	smov.u32 s26;
	s29 =	sadd.s32 $0x200, s26  }
0x59: {  	[tilespmem:s24], [sflag:$0x1] =	stream.indirect.gather [hbm4b:s6+s23], $0x10, s28, s23, $0xb8;
	[tilespmem:$0x19000] =	vst v63  }
0x5a: {  	p1 =	sne.s32 s26, $0x18600;
	_ =	swait.ge [sflag:s21], $0x800  }
.Ltmp4:
0x5b: {  	[sflag:s21] =	ssyncset.done $0x0;
	(pc) =	sbr.rel @p1 .LBB2_14-.Ltmp4, $4  }
0x5c: {  	s26 =	sadd.s32 $0x6200, s28;
	[sflag:s21] =	ssyncadd.s32 $0xFFFFF800  }
0x5d: {  	[spmem:s1] =	stream.indirect.scatter.add.f32 [tilespmem:s24], [sflag:$0x1], $0x10, s26, s23, $0xb8;
	[tilespmem:$0x19000] =	vst v63  }
0x5e: {  	_ =	swait.ge [sflag:s21], $0x800  }
0x5f: {  	s26 =	smov.u32 s29;
	[sflag:s21] =	ssyncset.done $0x0  }
0x60: {  	s25 =	sshra.s32 s25, $0x2;
	[sflag:s21] =	ssyncadd.s32 $0xFFFFF800  }
0x61: {  	[tilespmem:s24], [sflag:$0x1] =	stream.indirect.gather [hbm4b:s6+s23], $0x10, s25, s23, $0xb8;
	[tilespmem:$0x19000] =	vst v63  }
0x62: {  	_ =	swait.ge [sflag:s21], $0x800  }
0x63: {  	[sflag:s21] =	ssyncset.done $0x0  }
0x64: {  	s25 =	sadd.s32 $0x6200, s25;
	[sflag:s21] =	ssyncadd.s32 $0xFFFFF800  }
0x65: {  	[spmem:s1] =	stream.indirect.scatter.add.f32 [tilespmem:s24], [sflag:$0x1], $0x10, s25, s23, $0xb8;
	[tilespmem:$0x19000] =	vst v63  }
0x66: {  	_ =	swait.ge [sflag:s21], $0x800  }
0x67: {  	[sflag:s21] =	ssyncset.done $0x0  }
0x68: {  	[sflag:s21] =	ssyncadd.s32 $0xFFFFF800  }
0x69: {  	[bflag:$0x0] =	sbarrier.arrive $0xFFFF  }
0x6a: {  	[hbm:s13], [sflag:s19] =	dma.local [spmem:s20], $0x1880  }
0x6b: {  	_ =	swait.ge [sflag:s21], $0x1880  }
0x6c: {  	[sflag:s21] =	ssyncset.done $0x0  }
0x6d: {  	[sflag:s21] =	ssyncadd.s32 $0xFFFFE780  }
0x6e: {  	[bflag:$0x0] =	sbarrier.arrive $0xFFFF  }
0x6f: {  	[spmem:s20], [sflag:s19] =	dma.local [hbm:s11], $0x1880  }
0x70: {  	_ =	swait.ge [sflag:s21], $0x1880  }
0x71: {  	[sflag:s21] =	ssyncset.done $0x0  }
0x72: {  	[sflag:s21] =	ssyncadd.s32 $0xFFFFE780  }
0x73: {  	s29 =	simm.s32 $0x0;
	[bflag:$0x0] =	sbarrier.arrive $0xFFFF  }
0x74: {  	[tilespmem:s29], [sflag:$0x1] =	stream.linear.gather [hbm4b:s15+s29], $0x6200, $0x38;
	[tilespmem:$0x19000] =	vst v63  }
0x75: {  	_ =	swait.ge [sflag:s21], $0x6200  }
0x76: {  	[sflag:s21] =	ssyncset.done $0x0  }
0x77: {  	[sflag:s21] =	ssyncadd.s32 $0xFFFF9E00  }
0x78: {  	[tilespmem:s22], [sflag:$0x1] =	stream.linear.gather [hbm4b:s16+s29], $0x6200, $0x38;
	[tilespmem:$0x19000] =	vst v63  }
0x79: {  	_ =	swait.ge [sflag:s21], $0x6200  }
0x7a: {  	[sflag:s21] =	ssyncset.done $0x0  }
0x7b: {  	s30 =	simm.s32 $0x0;
	[sflag:s21] =	ssyncadd.s32 $0xFFFF9E00  }
0x7c: {  	[tilespmem:s24], [sflag:$0x1] =	stream.indirect.gather [hbm4b:s7+s23], $0x10, s30, s23, $0xb8;
	[tilespmem:$0x19000] =	vst v63  }
0x7d: {  	_ =	swait.ge [sflag:s21], $0x800  }
0x7e: {  	[sflag:s21] =	ssyncset.done $0x0  }
0x7f: {  	s31 =	simm.s32 $0x6200;
	[sflag:s21] =	ssyncadd.s32 $0xFFFFF800  }
0x80: {  	[spmem:s1] =	stream.indirect.scatter.add.f32 [tilespmem:s24], [sflag:$0x1], $0x10, s31, s23, $0xb8;
	[tilespmem:$0x19000] =	vst v63  }
0x81: {  	_ =	swait.ge [sflag:s21], $0x800  }
0x82: {  	s26 =	simm.s32 $0x400;
	s25 =	simm.s32 $0x200;
	[sflag:s21] =	ssyncset.done $0x0  }
.LBB2_16:
0x83: {  	s28 =	sshra.s32 s25, $0x2  }
0x84: {  	[sflag:s21] =	ssyncadd.s32 $0xFFFFF800;
	s25 =	smov.u32 s26;
	s29 =	sadd.s32 $0x200, s26  }
0x85: {  	[tilespmem:s24], [sflag:$0x1] =	stream.indirect.gather [hbm4b:s7+s23], $0x10, s28, s23, $0xb8;
	[tilespmem:$0x19000] =	vst v63  }
0x86: {  	p1 =	sne.s32 s26, $0x18600;
	_ =	swait.ge [sflag:s21], $0x800  }
.Ltmp5:
0x87: {  	[sflag:s21] =	ssyncset.done $0x0;
	(pc) =	sbr.rel @p1 .LBB2_16-.Ltmp5, $4  }
0x88: {  	s26 =	sadd.s32 $0x6200, s28;
	[sflag:s21] =	ssyncadd.s32 $0xFFFFF800  }
0x89: {  	[spmem:s1] =	stream.indirect.scatter.add.f32 [tilespmem:s24], [sflag:$0x1], $0x10, s26, s23, $0xb8;
	[tilespmem:$0x19000] =	vst v63  }
0x8a: {  	_ =	swait.ge [sflag:s21], $0x800  }
0x8b: {  	s26 =	smov.u32 s29;
	[sflag:s21] =	ssyncset.done $0x0  }
0x8c: {  	s25 =	sshra.s32 s25, $0x2;
	[sflag:s21] =	ssyncadd.s32 $0xFFFFF800  }
0x8d: {  	[tilespmem:s24], [sflag:$0x1] =	stream.indirect.gather [hbm4b:s7+s23], $0x10, s25, s23, $0xb8;
	[tilespmem:$0x19000] =	vst v63  }
0x8e: {  	_ =	swait.ge [sflag:s21], $0x800  }
0x8f: {  	[sflag:s21] =	ssyncset.done $0x0  }
0x90: {  	s25 =	sadd.s32 $0x6200, s25;
	[sflag:s21] =	ssyncadd.s32 $0xFFFFF800  }
0x91: {  	[spmem:s1] =	stream.indirect.scatter.add.f32 [tilespmem:s24], [sflag:$0x1], $0x10, s25, s23, $0xb8;
	[tilespmem:$0x19000] =	vst v63  }
0x92: {  	_ =	swait.ge [sflag:s21], $0x800  }
0x93: {  	[sflag:s21] =	ssyncset.done $0x0  }
0x94: {  	s29 =	simm.s32 $0x0;
	[sflag:s21] =	ssyncadd.s32 $0xFFFFF800  }
0x95: {  	[tilespmem:s29], [sflag:$0x1] =	stream.linear.gather [hbm4b:s17+s29], $0x6200, $0x38;
	[tilespmem:$0x19000] =	vst v63  }
0x96: {  	_ =	swait.ge [sflag:s21], $0x6200  }
0x97: {  	[sflag:s21] =	ssyncset.done $0x0  }
0x98: {  	[sflag:s21] =	ssyncadd.s32 $0xFFFF9E00  }
0x99: {  	[tilespmem:s22], [sflag:$0x1] =	stream.linear.gather [hbm4b:s18+s29], $0x6200, $0x38;
	[tilespmem:$0x19000] =	vst v63  }
0x9a: {  	_ =	swait.ge [sflag:s21], $0x6200  }
0x9b: {  	[sflag:s21] =	ssyncset.done $0x0  }
0x9c: {  	s30 =	simm.s32 $0x0;
	[sflag:s21] =	ssyncadd.s32 $0xFFFF9E00  }
0x9d: {  	[tilespmem:s24], [sflag:$0x1] =	stream.indirect.gather [hbm4b:s7+s23], $0x10, s30, s23, $0xb8;
	[tilespmem:$0x19000] =	vst v63  }
0x9e: {  	_ =	swait.ge [sflag:s21], $0x800  }
0x9f: {  	[sflag:s21] =	ssyncset.done $0x0  }
0xa0: {  	s31 =	simm.s32 $0x6200;
	[sflag:s21] =	ssyncadd.s32 $0xFFFFF800  }
0xa1: {  	[spmem:s1] =	stream.indirect.scatter.add.f32 [tilespmem:s24], [sflag:$0x1], $0x10, s31, s23, $0xb8;
	[tilespmem:$0x19000] =	vst v63  }
0xa2: {  	_ =	swait.ge [sflag:s21], $0x800  }
0xa3: {  	s26 =	simm.s32 $0x400;
	s25 =	simm.s32 $0x200;
	[sflag:s21] =	ssyncset.done $0x0  }
.LBB2_18:
0xa4: {  	s28 =	sshra.s32 s25, $0x2  }
0xa5: {  	[sflag:s21] =	ssyncadd.s32 $0xFFFFF800;
	s25 =	smov.u32 s26;
	s29 =	sadd.s32 $0x200, s26  }
0xa6: {  	[tilespmem:s24], [sflag:$0x1] =	stream.indirect.gather [hbm4b:s7+s23], $0x10, s28, s23, $0xb8;
	[tilespmem:$0x19000] =	vst v63  }
0xa7: {  	p1 =	sne.s32 s26, $0x18600;
	_ =	swait.ge [sflag:s21], $0x800  }
.Ltmp6:
0xa8: {  	[sflag:s21] =	ssyncset.done $0x0;
	(pc) =	sbr.rel @p1 .LBB2_18-.Ltmp6, $4  }
0xa9: {  	s26 =	sadd.s32 $0x6200, s28;
	[sflag:s21] =	ssyncadd.s32 $0xFFFFF800  }
0xaa: {  	[spmem:s1] =	stream.indirect.scatter.add.f32 [tilespmem:s24], [sflag:$0x1], $0x10, s26, s23, $0xb8;
	[tilespmem:$0x19000] =	vst v63  }
0xab: {  	_ =	swait.ge [sflag:s21], $0x800  }
0xac: {  	s26 =	smov.u32 s29;
	[sflag:s21] =	ssyncset.done $0x0  }
.Ltmp7:
0xad: {  	_ = 	snop;
	(pc) =	sbr.rel .LBB2_19-.Ltmp7, $1  }
0xae: {  	_ =	sdelay $0x3  }
.LBB2_2:
0xaf: {  	[tilespmem:s25], [sflag:$0x1] =	stream.linear.gather [hbm4b:s15+s25], $0x6200, $0x38;
	[tilespmem:$0x19000] =	vst v63  }
0xb0: {  	_ =	swait.ge [sflag:s21], $0x6200  }
0xb1: {  	[sflag:s21] =	ssyncset.done $0x0  }
0xb2: {  	[sflag:s21] =	ssyncadd.s32 $0xFFFF9E00  }
0xb3: {  	[tilespmem:s22], [sflag:$0x1] =	stream.linear.gather [hbm4b:s16+s25], $0x6200, $0x38;
	[tilespmem:$0x19000] =	vst v63  }
0xb4: {  	_ =	swait.ge [sflag:s21], $0x6200  }
0xb5: {  	[sflag:s21] =	ssyncset.done $0x0  }
0xb6: {  	s30 =	simm.s32 $0x0;
	[sflag:s21] =	ssyncadd.s32 $0xFFFF9E00  }
0xb7: {  	[tilespmem:s24], [sflag:$0x1] =	stream.indirect.gather [hbm4b:s4+s23], $0x10, s30, s23, $0xb8;
	[tilespmem:$0x19000] =	vst v63  }
0xb8: {  	_ =	swait.ge [sflag:s21], $0x800  }
0xb9: {  	[sflag:s21] =	ssyncset.done $0x0  }
0xba: {  	s31 =	simm.s32 $0x6200;
	[sflag:s21] =	ssyncadd.s32 $0xFFFFF800  }
0xbb: {  	[spmem:s1] =	stream.indirect.scatter.add.f32 [tilespmem:s24], [sflag:$0x1], $0x10, s31, s23, $0xb8;
	[tilespmem:$0x19000] =	vst v63  }
0xbc: {  	_ =	swait.ge [sflag:s21], $0x800  }
0xbd: {  	s26 =	simm.s32 $0x400;
	s25 =	simm.s32 $0x200;
	[sflag:s21] =	ssyncset.done $0x0  }
.LBB2_3:
0xbe: {  	s28 =	sshra.s32 s25, $0x2  }
0xbf: {  	[sflag:s21] =	ssyncadd.s32 $0xFFFFF800;
	s25 =	smov.u32 s26;
	s29 =	sadd.s32 $0x200, s26  }
0xc0: {  	[tilespmem:s24], [sflag:$0x1] =	stream.indirect.gather [hbm4b:s4+s23], $0x10, s28, s23, $0xb8;
	[tilespmem:$0x19000] =	vst v63  }
0xc1: {  	p1 =	sne.s32 s26, $0x18600;
	_ =	swait.ge [sflag:s21], $0x800  }
.Ltmp8:
0xc2: {  	[sflag:s21] =	ssyncset.done $0x0;
	(pc) =	sbr.rel @p1 .LBB2_3-.Ltmp8, $4  }
0xc3: {  	s26 =	sadd.s32 $0x6200, s28;
	[sflag:s21] =	ssyncadd.s32 $0xFFFFF800  }
0xc4: {  	[spmem:s1] =	stream.indirect.scatter.add.f32 [tilespmem:s24], [sflag:$0x1], $0x10, s26, s23, $0xb8;
	[tilespmem:$0x19000] =	vst v63  }
0xc5: {  	_ =	swait.ge [sflag:s21], $0x800  }
0xc6: {  	s26 =	smov.u32 s29;
	[sflag:s21] =	ssyncset.done $0x0  }
0xc7: {  	s25 =	sshra.s32 s25, $0x2;
	[sflag:s21] =	ssyncadd.s32 $0xFFFFF800  }
0xc8: {  	[tilespmem:s24], [sflag:$0x1] =	stream.indirect.gather [hbm4b:s4+s23], $0x10, s25, s23, $0xb8;
	[tilespmem:$0x19000] =	vst v63  }
0xc9: {  	_ =	swait.ge [sflag:s21], $0x800  }
0xca: {  	[sflag:s21] =	ssyncset.done $0x0  }
0xcb: {  	s25 =	sadd.s32 $0x6200, s25;
	[sflag:s21] =	ssyncadd.s32 $0xFFFFF800  }
0xcc: {  	[spmem:s1] =	stream.indirect.scatter.add.f32 [tilespmem:s24], [sflag:$0x1], $0x10, s25, s23, $0xb8;
	[tilespmem:$0x19000] =	vst v63  }
0xcd: {  	_ =	swait.ge [sflag:s21], $0x800  }
0xce: {  	[sflag:s21] =	ssyncset.done $0x0  }
0xcf: {  	s29 =	simm.s32 $0x0;
	[sflag:s21] =	ssyncadd.s32 $0xFFFFF800  }
0xd0: {  	[tilespmem:s29], [sflag:$0x1] =	stream.linear.gather [hbm4b:s17+s29], $0x6200, $0x38;
	[tilespmem:$0x19000] =	vst v63  }
0xd1: {  	_ =	swait.ge [sflag:s21], $0x6200  }
0xd2: {  	[sflag:s21] =	ssyncset.done $0x0  }
0xd3: {  	[sflag:s21] =	ssyncadd.s32 $0xFFFF9E00  }
0xd4: {  	[tilespmem:s22], [sflag:$0x1] =	stream.linear.gather [hbm4b:s18+s29], $0x6200, $0x38;
	[tilespmem:$0x19000] =	vst v63  }
0xd5: {  	_ =	swait.ge [sflag:s21], $0x6200  }
0xd6: {  	[sflag:s21] =	ssyncset.done $0x0  }
0xd7: {  	s30 =	simm.s32 $0x0;
	[sflag:s21] =	ssyncadd.s32 $0xFFFF9E00  }
0xd8: {  	[tilespmem:s24], [sflag:$0x1] =	stream.indirect.gather [hbm4b:s4+s23], $0x10, s30, s23, $0xb8;
	[tilespmem:$0x19000] =	vst v63  }
0xd9: {  	_ =	swait.ge [sflag:s21], $0x800  }
0xda: {  	[sflag:s21] =	ssyncset.done $0x0  }
0xdb: {  	s31 =	simm.s32 $0x6200;
	[sflag:s21] =	ssyncadd.s32 $0xFFFFF800  }
0xdc: {  	[spmem:s1] =	stream.indirect.scatter.add.f32 [tilespmem:s24], [sflag:$0x1], $0x10, s31, s23, $0xb8;
	[tilespmem:$0x19000] =	vst v63  }
0xdd: {  	_ =	swait.ge [sflag:s21], $0x800  }
0xde: {  	s26 =	simm.s32 $0x400;
	s25 =	simm.s32 $0x200;
	[sflag:s21] =	ssyncset.done $0x0  }
.LBB2_5:
0xdf: {  	s28 =	sshra.s32 s25, $0x2  }
0xe0: {  	[sflag:s21] =	ssyncadd.s32 $0xFFFFF800;
	s25 =	smov.u32 s26;
	s29 =	sadd.s32 $0x200, s26  }
0xe1: {  	[tilespmem:s24], [sflag:$0x1] =	stream.indirect.gather [hbm4b:s4+s23], $0x10, s28, s23, $0xb8;
	[tilespmem:$0x19000] =	vst v63  }
0xe2: {  	p1 =	sne.s32 s26, $0x18600;
	_ =	swait.ge [sflag:s21], $0x800  }
.Ltmp9:
0xe3: {  	[sflag:s21] =	ssyncset.done $0x0;
	(pc) =	sbr.rel @p1 .LBB2_5-.Ltmp9, $4  }
0xe4: {  	s26 =	sadd.s32 $0x6200, s28;
	[sflag:s21] =	ssyncadd.s32 $0xFFFFF800  }
0xe5: {  	[spmem:s1] =	stream.indirect.scatter.add.f32 [tilespmem:s24], [sflag:$0x1], $0x10, s26, s23, $0xb8;
	[tilespmem:$0x19000] =	vst v63  }
0xe6: {  	_ =	swait.ge [sflag:s21], $0x800  }
0xe7: {  	s26 =	smov.u32 s29;
	[sflag:s21] =	ssyncset.done $0x0  }
0xe8: {  	s25 =	sshra.s32 s25, $0x2;
	[sflag:s21] =	ssyncadd.s32 $0xFFFFF800  }
0xe9: {  	[tilespmem:s24], [sflag:$0x1] =	stream.indirect.gather [hbm4b:s4+s23], $0x10, s25, s23, $0xb8;
	[tilespmem:$0x19000] =	vst v63  }
0xea: {  	_ =	swait.ge [sflag:s21], $0x800  }
0xeb: {  	[sflag:s21] =	ssyncset.done $0x0  }
0xec: {  	s25 =	sadd.s32 $0x6200, s25;
	[sflag:s21] =	ssyncadd.s32 $0xFFFFF800  }
0xed: {  	[spmem:s1] =	stream.indirect.scatter.add.f32 [tilespmem:s24], [sflag:$0x1], $0x10, s25, s23, $0xb8;
	[tilespmem:$0x19000] =	vst v63  }
0xee: {  	_ =	swait.ge [sflag:s21], $0x800  }
0xef: {  	[sflag:s21] =	ssyncset.done $0x0  }
0xf0: {  	[sflag:s21] =	ssyncadd.s32 $0xFFFFF800  }
0xf1: {  	[bflag:$0x0] =	sbarrier.arrive $0xFFFF  }
0xf2: {  	[hbm:s12], [sflag:s19] =	dma.local [spmem:s20], $0x1880  }
0xf3: {  	_ =	swait.ge [sflag:s21], $0x1880  }
0xf4: {  	[sflag:s21] =	ssyncset.done $0x0  }
0xf5: {  	[sflag:s21] =	ssyncadd.s32 $0xFFFFE780  }
0xf6: {  	[bflag:$0x0] =	sbarrier.arrive $0xFFFF  }
0xf7: {  	[spmem:s20], [sflag:s19] =	dma.local [hbm:s11], $0x1880  }
0xf8: {  	_ =	swait.ge [sflag:s21], $0x1880  }
0xf9: {  	[sflag:s21] =	ssyncset.done $0x0  }
0xfa: {  	[sflag:s21] =	ssyncadd.s32 $0xFFFFE780  }
0xfb: {  	s29 =	simm.s32 $0x0;
	[bflag:$0x0] =	sbarrier.arrive $0xFFFF  }
0xfc: {  	[tilespmem:s29], [sflag:$0x1] =	stream.linear.gather [hbm4b:s15+s29], $0x6200, $0x38;
	[tilespmem:$0x19000] =	vst v63  }
0xfd: {  	_ =	swait.ge [sflag:s21], $0x6200  }
0xfe: {  	[sflag:s21] =	ssyncset.done $0x0  }
0xff: {  	[sflag:s21] =	ssyncadd.s32 $0xFFFF9E00  }
0x100: {  	[tilespmem:s22], [sflag:$0x1] =	stream.linear.gather [hbm4b:s16+s29], $0x6200, $0x38;
	[tilespmem:$0x19000] =	vst v63  }
0x101: {  	_ =	swait.ge [sflag:s21], $0x6200  }
0x102: {  	[sflag:s21] =	ssyncset.done $0x0  }
0x103: {  	s30 =	simm.s32 $0x0;
	[sflag:s21] =	ssyncadd.s32 $0xFFFF9E00  }
0x104: {  	[tilespmem:s24], [sflag:$0x1] =	stream.indirect.gather [hbm4b:s5+s23], $0x10, s30, s23, $0xb8;
	[tilespmem:$0x19000] =	vst v63  }
0x105: {  	_ =	swait.ge [sflag:s21], $0x800  }
0x106: {  	[sflag:s21] =	ssyncset.done $0x0  }
0x107: {  	s31 =	simm.s32 $0x6200;
	[sflag:s21] =	ssyncadd.s32 $0xFFFFF800  }
0x108: {  	[spmem:s1] =	stream.indirect.scatter.add.f32 [tilespmem:s24], [sflag:$0x1], $0x10, s31, s23, $0xb8;
	[tilespmem:$0x19000] =	vst v63  }
0x109: {  	_ =	swait.ge [sflag:s21], $0x800  }
0x10a: {  	s26 =	simm.s32 $0x400;
	s25 =	simm.s32 $0x200;
	[sflag:s21] =	ssyncset.done $0x0  }
.LBB2_7:
0x10b: {  	s28 =	sshra.s32 s25, $0x2  }
0x10c: {  	[sflag:s21] =	ssyncadd.s32 $0xFFFFF800;
	s25 =	smov.u32 s26;
	s29 =	sadd.s32 $0x200, s26  }
0x10d: {  	[tilespmem:s24], [sflag:$0x1] =	stream.indirect.gather [hbm4b:s5+s23], $0x10, s28, s23, $0xb8;
	[tilespmem:$0x19000] =	vst v63  }
0x10e: {  	p1 =	sne.s32 s26, $0x18600;
	_ =	swait.ge [sflag:s21], $0x800  }
.Ltmp10:
0x10f: {  	[sflag:s21] =	ssyncset.done $0x0;
	(pc) =	sbr.rel @p1 .LBB2_7-.Ltmp10, $4  }
0x110: {  	s26 =	sadd.s32 $0x6200, s28;
	[sflag:s21] =	ssyncadd.s32 $0xFFFFF800  }
0x111: {  	[spmem:s1] =	stream.indirect.scatter.add.f32 [tilespmem:s24], [sflag:$0x1], $0x10, s26, s23, $0xb8;
	[tilespmem:$0x19000] =	vst v63  }
0x112: {  	_ =	swait.ge [sflag:s21], $0x800  }
0x113: {  	s26 =	smov.u32 s29;
	[sflag:s21] =	ssyncset.done $0x0  }
0x114: {  	s25 =	sshra.s32 s25, $0x2;
	[sflag:s21] =	ssyncadd.s32 $0xFFFFF800  }
0x115: {  	[tilespmem:s24], [sflag:$0x1] =	stream.indirect.gather [hbm4b:s5+s23], $0x10, s25, s23, $0xb8;
	[tilespmem:$0x19000] =	vst v63  }
0x116: {  	_ =	swait.ge [sflag:s21], $0x800  }
0x117: {  	[sflag:s21] =	ssyncset.done $0x0  }
0x118: {  	s25 =	sadd.s32 $0x6200, s25;
	[sflag:s21] =	ssyncadd.s32 $0xFFFFF800  }
0x119: {  	[spmem:s1] =	stream.indirect.scatter.add.f32 [tilespmem:s24], [sflag:$0x1], $0x10, s25, s23, $0xb8;
	[tilespmem:$0x19000] =	vst v63  }
0x11a: {  	_ =	swait.ge [sflag:s21], $0x800  }
0x11b: {  	[sflag:s21] =	ssyncset.done $0x0  }
0x11c: {  	s29 =	simm.s32 $0x0;
	[sflag:s21] =	ssyncadd.s32 $0xFFFFF800  }
0x11d: {  	[tilespmem:s29], [sflag:$0x1] =	stream.linear.gather [hbm4b:s17+s29], $0x6200, $0x38;
	[tilespmem:$0x19000] =	vst v63  }
0x11e: {  	_ =	swait.ge [sflag:s21], $0x6200  }
0x11f: {  	[sflag:s21] =	ssyncset.done $0x0  }
0x120: {  	[sflag:s21] =	ssyncadd.s32 $0xFFFF9E00  }
0x121: {  	[tilespmem:s22], [sflag:$0x1] =	stream.linear.gather [hbm4b:s18+s29], $0x6200, $0x38;
	[tilespmem:$0x19000] =	vst v63  }
0x122: {  	_ =	swait.ge [sflag:s21], $0x6200  }
0x123: {  	[sflag:s21] =	ssyncset.done $0x0  }
0x124: {  	s30 =	simm.s32 $0x0;
	[sflag:s21] =	ssyncadd.s32 $0xFFFF9E00  }
0x125: {  	[tilespmem:s24], [sflag:$0x1] =	stream.indirect.gather [hbm4b:s5+s23], $0x10, s30, s23, $0xb8;
	[tilespmem:$0x19000] =	vst v63  }
0x126: {  	_ =	swait.ge [sflag:s21], $0x800  }
0x127: {  	[sflag:s21] =	ssyncset.done $0x0  }
0x128: {  	s31 =	simm.s32 $0x6200;
	[sflag:s21] =	ssyncadd.s32 $0xFFFFF800  }
0x129: {  	[spmem:s1] =	stream.indirect.scatter.add.f32 [tilespmem:s24], [sflag:$0x1], $0x10, s31, s23, $0xb8;
	[tilespmem:$0x19000] =	vst v63  }
0x12a: {  	_ =	swait.ge [sflag:s21], $0x800  }
0x12b: {  	s26 =	simm.s32 $0x400;
	s25 =	simm.s32 $0x200;
	[sflag:s21] =	ssyncset.done $0x0  }
.LBB2_9:
0x12c: {  	s28 =	sshra.s32 s25, $0x2  }
0x12d: {  	[sflag:s21] =	ssyncadd.s32 $0xFFFFF800;
	s25 =	smov.u32 s26;
	s29 =	sadd.s32 $0x200, s26  }
0x12e: {  	[tilespmem:s24], [sflag:$0x1] =	stream.indirect.gather [hbm4b:s5+s23], $0x10, s28, s23, $0xb8;
	[tilespmem:$0x19000] =	vst v63  }
0x12f: {  	p1 =	seq.s32 s26, $0x18600;
	_ =	swait.ge [sflag:s21], $0x800  }
.Ltmp11:
0x130: {  	[sflag:s21] =	ssyncset.done $0x0;
	(pc) =	sbr.rel @!p1 .LBB2_9-.Ltmp11, $4  }
0x131: {  	s26 =	sadd.s32 $0x6200, s28;
	[sflag:s21] =	ssyncadd.s32 $0xFFFFF800  }
0x132: {  	[spmem:s1] =	stream.indirect.scatter.add.f32 [tilespmem:s24], [sflag:$0x1], $0x10, s26, s23, $0xb8;
	[tilespmem:$0x19000] =	vst v63  }
0x133: {  	_ =	swait.ge [sflag:s21], $0x800  }
0x134: {  	s26 =	smov.u32 s29;
	[sflag:s21] =	ssyncset.done $0x0  }
0x135: {  	s25 =	sshra.s32 s25, $0x2;
	[sflag:s21] =	ssyncadd.s32 $0xFFFFF800  }
0x136: {  	[tilespmem:s24], [sflag:$0x1] =	stream.indirect.gather [hbm4b:s5+s23], $0x10, s25, s23, $0xb8;
	[tilespmem:$0x19000] =	vst v63  }
0x137: {  	_ =	swait.ge [sflag:s21], $0x800  }
0x138: {  	[sflag:s21] =	ssyncset.done $0x0  }
.Ltmp12:
0x139: {  	s25 =	sadd.s32 $0x6200, s25;
	[sflag:s21] =	ssyncadd.s32 $0xFFFFF800;
	(pc) =	sbr.rel .LBB2_20-.Ltmp12, $4  }
0x13a: {  	[spmem:s1] =	stream.indirect.scatter.add.f32 [tilespmem:s24], [sflag:$0x1], $0x10, s25, s23, $0xb8;
	[tilespmem:$0x19000] =	vst v63  }
0x13b: {  	_ =	swait.ge [sflag:s21], $0x800  }
0x13c: {  	[sflag:s21] =	ssyncset.done $0x0  }
0x13d: {  	s25 =	smov.u32 s9;
	[sflag:s21] =	ssyncadd.s32 $0xFFFFF800  }
.LBB2_21:
0x13e: {  	_ =	sfence.sel $0x180000  }
0x13f: {  	[bflag:$0x0] =	sbarrier.arrive $0xFFFF  }
0x140: {  	p0 =	sne.s32 s3, $0x0;
	_ =	strace $0x9000004D  }
0x141: {  	s0 =	sadd.s32 @!p0 $0x100000, s0;
	[bflag:$0x2] =	sbarrier.arrive $0xFFFF  }
0x142: {  	[sflag:s0] =	ssyncadd.tile.s32 @!p0 $0x1;
	_ =	shalt  }
.Lfunc_end2:
_tile_overlayer_lowered:
.L_overlay_start_2:
0x143: {  	(tag) =	ssettag $0x2  }
0x144: {  	s0 =	rddreg [dreg:$0x0];
	s2 =	stileid.u32  }
0x145: {  	s1 =	rddreg [dreg:$0x1];
	p0 =	sne.s32 s2, $0x0  }
0x146: {  	s3 =	rddreg [dreg:$0x2];
	[bflag:$0x3] =	sbarrier.arrive $0xFFFF;
	s2 =	simm.s32 @!p0 $0x1C01  }
0x147: {  	[timem:s3], [sflag:s2] =	dma.local @!p0 [hbm:s0], s1  }
0x148: {  	s0 =	simm.s32 @!p0 $0x1  }
0x149: {  	_ =	swait.ge @!p0 [sflag:s0], s1  }
0x14a: {  	s1 =	ssub.s32 @!p0 $0x0, s1;
	[sflag:s0] =	ssyncset.done @!p0 $0x0  }
0x14b: {  	[sflag:s0] =	ssyncadd.s32 @!p0 s1  }
0x14c: {  	[bflag:$0x3] =	sbarrier.arrive $0xFFFF  }
0x14d: {  	_ =	shalt  }

// kernel: kernel.8.cloned.1.call-start
scs
__scs_entry_jumppad:
0x0: {  	(pc) =	sbr.rel $0x88, $3  }
0x1: {  	(tag) =	ssettag $0x0;
	lr =	simm.s32 $0x1  }
0x2: {  	[smem:$0x3F99] =	sst lr;
	_ =	strace $0xD0000000  }
0x3: {  	_ = 	snop  }
0x4: {  	_ = 	snop  }
0x5: {  	_ = 	snop  }
0x6: {  	_ = 	snop  }
0x7: {  	_ = 	snop  }
__scs_overlays_trampoline_lowered:
0x8: {  	[smem:$0x3FA8] =	sst s0  }
0x9: {  	[smem:$0x3FA9] =	sst s1  }
0xa: {  	[smem:$0x3FAA] =	sst s2  }
0xb: {  	[smem:$0x3FAB] =	sst s3  }
0xc: {  	[smem:$0x3FAC] =	sst s4  }
0xd: {  	[smem:$0x3FAD] =	sst s5  }
0xe: {  	[smem:$0x3FAE] =	sst s6  }
0xf: {  	[smem:$0x3FAF] =	sst s7  }
0x10: {  	[smem:$0x3FB0] =	sst s8  }
0x11: {  	[smem:$0x3FB1] =	sst s9;
	s0 =	simm.s32 @!p0 $0x0  }
0x12: {  	s1 =	sld [smem:$0x3F97];
	s0 =	simm.s32 @p0 $0x1  }
0x13: {  	[smem:$0x3FB2] =	sst s0;
	s0 =	simm.s32 @!p1 $0x0  }
0x14: {  	s2 =	sld [smem:$0x3F96];
	s0 =	simm.s32 @p1 $0x1  }
0x15: {  	[smem:$0x3FB3] =	sst s0;
	s0 =	simm.s32 @!p2 $0x0  }
0x16: {  	s3 =	sld [smem:$0x3FDB];
	s0 =	simm.s32 @p2 $0x1  }
0x17: {  	s4 =	simm.s32 $0x1BF5;
	[smem:$0x3FB5] =	sst s0  }
0x18: {  	s0 =	sld [smem:$0x3F98];
	_ =	swait.ge [sflag:s4], $0x0  }
0x19: {  	s7 =	sld [smem:$0x3F99]  }
0x1a: {  	s8 =	sadd.s32 $0xFFFFE003, lr  }
0x1b: {  	s9 =	sadd.s32 $0xFFFFFEF7, lr;
	s5 =	simm.s32 $0xFFFFFFFF;
	p2 =	slt.u32 s8, $0xFFFFF086  }
0x1c: {  	p1 =	slt.u32 s9, $0xF7A;
	s5 =	simm.s32 @!p2 $0x0  }
0x1d: {  	s5 =	simm.s32 @p1 $0x1;
	p0 =	seq.s32 s7, s2  }
0x1e: {  	s7 =	smul.u32 @!p0 $0xF7A, s2;
	p2 =	seq.s32 @!p0 s5, $0x0  }
0x1f: {  	s9 =	smul.u32 $0xF7A, s1;
	s8 =	simm.s32 @!p0 $0x1BF5;
	p2 =	por !p2, p0  }
0x20: {  	[sflag:s8] =	ssyncset.s32 @!p0 $0xFFFFF086;
	s6 =	sadd.s32 @!p0 s3, s7;
	s7 =	simm.s32 @!p0 $0x108  }
0x21: {  	s3 =	sadd.s32 s3, s9;
	s6 =	sadd.s32 @!p0 $0x88, s6;
	s7 =	simm.s32 @p2 $0x1082  }
0x22: {  	[simem:s7], [sflag:s8] =	dma.local @!p0 [hbm:s6], $0xF7A  }
0x23: {  	s9 =	sor.u32 $0xD0000000, s2;
	s6 =	simm.s32 $0x108;
	_ =	swait.ge @!p0 [sflag:s8], $0x0  }
0x24: {  	s3 =	sadd.s32 $0x88, s3;
	s6 =	simm.s32 @!p1 $0x1082;
	[sflag:s4] =	ssyncset.s32 $0xFFFFF086  }
0x25: {  	[simem:s6], [sflag:s4] =	dma.local [hbm:s3], $0xF7A  }
0x26: {  	[smem:$0x3F99] =	sst s1;
	(tag) =	ssettag s2;
	_ =	strace s9  }
0x27: {  	s1 =	sld [smem:$0x3FA9]  }
0x28: {  	s2 =	sld [smem:$0x3FAA]  }
0x29: {  	s4 =	sld [smem:$0x3FAC]  }
0x2a: {  	p0 =	seq.s32 s5, $0x0;
	s5 =	sld [smem:$0x3FAD]  }
0x2b: {  	s6 =	sld [smem:$0x3FAE]  }
0x2c: {  	s7 =	sld [smem:$0x3FAF]  }
0x2d: {  	s3 =	simm.s32 $0x108;
	s8 =	sld [smem:$0x3FB0]  }
0x2e: {  	s3 =	simm.s32 @!p0 $0x1082;
	s9 =	sld [smem:$0x3FB1]  }
0x2f: {  	lr =	sadd.s32 s0, s3;
	s0 =	sld [smem:$0x3FA8]  }
0x30: {  	s3 =	sld [smem:$0x3FAB]  }
0x31: {  	[smem:$0x3FB4] =	sst s10  }
0x32: {  	s10 =	sld [smem:$0x3FB2];
	_ =	sdelay $0x3  }
0x33: {  	p0 =	seq.s32 s10, $0x1;
	s10 =	sld [smem:$0x3FB4];
	_ =	sdelay $0x3  }
0x34: {  	[smem:$0x3FB4] =	sst s10  }
0x35: {  	s10 =	sld [smem:$0x3FB3];
	_ =	sdelay $0x3  }
0x36: {  	p1 =	seq.s32 s10, $0x1;
	s10 =	sld [smem:$0x3FB4];
	_ =	sdelay $0x3  }
0x37: {  	[smem:$0x3FB4] =	sst s10  }
0x38: {  	s10 =	sld [smem:$0x3FB5]  }
0x39: {  	_ = 	snop;
	(pc) =	sbr.ind lr, $3  }
0x3a: {  	_ = 	snop  }
0x3b: {  	_ = 	snop  }
0x3c: {  	p2 =	seq.s32 s10, $0x1;
	s10 =	sld [smem:$0x3FB4]  }
0x3d: {  	_ =	shalt  }
0x3e: {  	_ =	shalt  }
0x3f: {  	_ =	shalt  }
0x40: {  	_ =	shalt  }
0x41: {  	_ =	shalt  }
0x42: {  	_ =	shalt  }
0x43: {  	_ =	shalt  }
0x44: {  	_ =	shalt  }
0x45: {  	_ =	shalt  }
0x46: {  	_ =	shalt  }
0x47: {  	_ =	shalt  }
0x48: {  	_ =	shalt  }
0x49: {  	_ =	shalt  }
0x4a: {  	_ =	shalt  }
0x4b: {  	_ =	shalt  }
0x4c: {  	_ =	shalt  }
0x4d: {  	_ =	shalt  }
0x4e: {  	_ =	shalt  }
0x4f: {  	_ =	shalt  }
0x50: {  	_ =	shalt  }
0x51: {  	_ =	shalt  }
0x52: {  	_ =	shalt  }
0x53: {  	_ =	shalt  }
0x54: {  	_ =	shalt  }
0x55: {  	_ =	shalt  }
0x56: {  	_ =	shalt  }
0x57: {  	_ =	shalt  }
0x58: {  	_ =	shalt  }
0x59: {  	_ =	shalt  }
0x5a: {  	_ =	shalt  }
0x5b: {  	_ =	shalt  }
0x5c: {  	_ =	shalt  }
0x5d: {  	_ =	shalt  }
0x5e: {  	_ =	shalt  }
0x5f: {  	_ =	shalt  }
0x60: {  	_ =	shalt  }
0x61: {  	_ =	shalt  }
0x62: {  	_ =	shalt  }
0x63: {  	_ =	shalt  }
0x64: {  	_ =	shalt  }
0x65: {  	_ =	shalt  }
0x66: {  	_ =	shalt  }
0x67: {  	_ =	shalt  }
0x68: {  	_ =	shalt  }
0x69: {  	_ =	shalt  }
0x6a: {  	_ =	shalt  }
0x6b: {  	_ =	shalt  }
0x6c: {  	_ =	shalt  }
0x6d: {  	_ =	shalt  }
0x6e: {  	_ =	shalt  }
0x6f: {  	_ =	shalt  }
0x70: {  	_ =	shalt  }
0x71: {  	_ =	shalt  }
0x72: {  	_ =	shalt  }
0x73: {  	_ =	shalt  }
0x74: {  	_ =	shalt  }
0x75: {  	_ =	shalt  }
0x76: {  	_ =	shalt  }
0x77: {  	_ =	shalt  }
0x78: {  	_ =	shalt  }
0x79: {  	_ =	shalt  }
0x7a: {  	_ =	shalt  }
0x7b: {  	_ =	shalt  }
0x7c: {  	_ =	shalt  }
0x7d: {  	_ =	shalt  }
0x7e: {  	_ =	shalt  }
0x7f: {  	_ =	shalt  }
0x80: {  	_ =	shalt  }
0x81: {  	_ =	shalt  }
0x82: {  	_ =	shalt  }
0x83: {  	_ =	shalt  }
0x84: {  	_ =	shalt  }
0x85: {  	_ =	shalt  }
0x86: {  	_ =	shalt  }
0x87: {  	_ =	shalt  }
.Lfunc_end0:
.L_simem_size_0:
called_computation_lowered:
.L_overlay_start_0:
0x88: {  	s2 =	sld [smem:$0x3FD9]  }
0x89: {  	s3 =	sld [smem:$0x3FFE];
	_ =	sdelay $0x1  }
0x8a: {  	s1 =	srdreg.scid  }
0x8b: {  	s0 =	sand.u32 $0x1, s1  }
0x8c: {  	s16 =	sshll.u32 s0, $0xA;
	s2 =	sadd.s32 s3, s2  }
0x8d: {  	s2 =	sadd.s32 s2, s16  }
0x8e: {  	[smem:$0x3FC0] =	sst s2  }
0x8f: {  	_ = 	snop  }
0x90: {  	(tm) =	ssettm $0x1  }
0x91: {  	s17 =	sld [smem:$0x3FFB];
	_ =	sdelay $0x3  }
0x92: {  	_ =	strace s17  }
0x93: {  	s2 =	sld [smem:$0x3FFC];
	_ =	sdelay $0x3  }
0x94: {  	_ =	strace s2  }
0x95: {  	s2 =	sld [smem:$0x3FFD];
	_ =	sdelay $0x3  }
0x96: {  	_ =	strace s2  }
0x97: {  	_ =	strace $0x8FFFFFFF  }
0x98: {  	s18 =	sld [smem:$0x3FDB];
	_ =	sdelay $0x1  }
0x99: {  	s19 =	simm.s32 $_scs_section_size  }
0x9a: {  	s4 =	simm.s32 $_size__tile_overlayer_lowered;
	s5 =	simm.s32 $_tile_overlayer_lowered  }
0x9b: {  	s22 =	simm.s32 $0x1BFF;
	s21 =	sshll.u32 s5, $0x1;
	s2 =	sadd.s32 s19, s18  }
0x9c: {  	s6 =	simm.s32 $0x0;
	s20 =	sshll.u32 s4, $0x1;
	s4 =	sadd.s32 s21, s2  }
0x9d: {  	[timem:s6], [sflag:s22] =	dma.local [hbm:s4], s20  }
0x9e: {  	_ =	swait.ge [sflag:s22], s20  }
0x9f: {  	s3 =	ssub.s32 $0x0, s20;
	[sflag:s22] =	ssyncset.done $0x0  }
0xa0: {  	[sflag:s22] =	ssyncadd.s32 s3;
	_ =	sdelay $0x1  }
0xa1: {  	s23 =	simm.s32 $0x1B8B  }
0xa2: {  	_ =	swait.ge [sflag:s23], $0x1  }
0xa3: {  	[sflag:s23] =	ssyncset.done $0x0  }
0xa4: {  	s25 =	simm.s32 $0x1B8E;
	s24 =	sld [smem:$0x3FFE];
	[sflag:s23] =	ssyncadd.s32 $0xFFFFFFFF  }
0xa5: {  	s26 =	simm.s32 $execute0_lowered;
	[smem:$0x3FD2] =	sst s25  }
0xa6: {  	s4 =	sshll.u32 s26, $0x1;
	_ =	strace $0x80000046;
	[dreg:$0x1] =	wrdreg $0xFFFFFFFF  }
0xa7: {  	s28 =	simm.s32 $_size_execute0_lowered;
	s2 =	sadd.s32 s2, s4;
	[dreg:$0x0] =	wrdreg $0x0  }
0xa8: {  	s4 =	sshll.u32 s28, $0x1;
	[dreg:$0x2] =	wrdreg s2  }
0xa9: {  	[dreg:$0x3] =	wrdreg s4  }
0xaa: {  	[dreg:$0x4] =	wrdreg $0xC0  }
0xab: {  	_ =	task [dreg:s6], $0x5FFFF  }
0xac: {  	[dreg:$0x1] =	wrdreg $0xFFFFFFFF  }
0xad: {  	[dreg:$0x0] =	wrdreg $0x60  }
0xae: {  	[dreg:$0x2] =	wrdreg s24  }
0xaf: {  	[dreg:$0x3] =	wrdreg $0x66000  }
0xb0: {  	[dreg:$0x4] =	wrdreg $0x9  }
0xb1: {  	_ =	task.clear_ibuf [dreg:s6], $0x5FFFF;
	_ =	strace $0x90000046  }
0xb2: {  	s29 =	simm.s32 $0x9;
	_ =	strace $0x80000048  }
0xb3: {  	_ =	swait.ge [sflag:s29], $0x1  }
0xb4: {  	[sflag:s29] =	ssyncadd.s32 $0xFFFFFFFF  }
0xb5: {  	_ =	strace $0x90000048  }
0xb6: {  	_ =	sfence  }
0xb7: {  	s30 =	sld [smem:$0x0];
	_ =	sdelay $0x2  }
0xb8: {  	s31 =	sshll.u32 s1, $0xD;
	s1 =	sshrl.u32 s1, $0x2  }
0xb9: {  	s3 =	sand.u32 $0x4000, s31;
	s1 =	sadd.s32 s1, s30  }
0xba: {  	s0 =	sor.u32 s3, s0;
	s1 =	sshll.u32 s1, $0x11  }
0xbb: {  	s0 =	sor.u32 s1, s0  }
0xbc: {  	s0 =	sadd.s32 $0x8F2B, s0  }
0xbd: {  	[sflag:s0] =	ssyncadd.remote.s32 $0x1  }
0xbe: {  	_ =	sfence.sel $0xFFFF  }
0xbf: {  	[dreg:$0x0] =	wrdreg $0xFFFFFFFF;
	(pc) =	sbr.abs _section_cstart, $3  }
0xc0: {  	[dreg:$0x1] =	wrdreg $0xFFFFFFFF  }
0xc1: {  	_ =	task.clear_ibuf [dreg:s6], $0x2FFFF;
	_ =	strace $0x9FFFFFFF  }
0xc2: {  	(tm) =	ssettm $0x7FFFFFFF  }
0xc3: {  	_ =	shalt  }
tec
execute0_lowered:
.L_overlay_start_1:
0x0: {  	(tag) =	ssettag $0x1  }
0x1: {  	s0 =	srdreg.scid;
	s4 =	rddreg [dreg:$0x0]  }
0x2: {  	s2 =	rddreg [dreg:$0x1];
	s3 =	simm.s32 $0x0;
	s12 =	simm.s32 $0x35A00  }
0x3: {  	s13 =	simm.s32 $0x80;
	s14 =	simm.s32 $0x0;
	s7 =	sand.u32 $0x1, s0  }
0x4: {  	s0 =	stileid.u32;
	[smem:$0x7FF] =	sst s3;
	s1 =	sshll.u32 s7, $0x4  }
0x5: {  	s6 =	smul.u32 $0x6200, s0;
	s8 =	ssub.s32 $0x2, s7;
	s31 =	sshll.u32 s0, $0x6  }
0x6: {  	p0 =	seq.s32 s7, $0x1;
	s5 =	sor.u32 s0, s1;
	s1 =	rddreg [dreg:$0x2]  }
0x7: {  	_ =	strace $0x80000047;
	s10 =	sshrl.u32 s8, $0x1;
	s12 =	simm.s32 @!p0 $0x29600  }
0x8: {  	s5 =	smul.u32 $0xC40, s5;
	s29 =	sshrl.u32 s6, $0x3;
	s8 =	ssub.s32 s8, s10  }
0x9: {  	s30 =	sadd.s32 s6, s2;
	s6 =	sor.u32 $0x1C01, s31;
	s11 =	sadd.s32 s29, s4  }
0xa: {  	s8 =	smax.u32 s8, $0x1;
	s10 =	sshrl.u32 s30, $0x3;
	s9 =	sadd.s32 s5, s4  }
0xb: {  	s4 =	sadd.s32 $0x29400, s4;
	s5 =	sadd.s32 $0x1D000, s11;
	s7 =	sadd.s32 $0x4800, s9  }
0xc: {  	s9 =	sadd.s32 s12, s11;
	s11 =	simm.s32 $0x1;
	s12 =	simm.s32 $0x6200  }
.LBB2_1:
0xd: {  	[spmem:s10], [sflag:s6] =	dma.local [hbm:s5], $0xC40  }
0xe: {  	_ =	swait.ge [sflag:s11], $0xC40  }
0xf: {  	[sflag:s11] =	ssyncset.done $0x0  }
0x10: {  	[sflag:s11] =	ssyncadd.s32 $0xFFFFF3C0  }
0x11: {  	[tilespmem:s12], [sflag:$0x1] =	stream.linear.gather [hbm4b:s4+s3], $0x400, $0x38;
	[tilespmem:$0x9700] =	vst v63  }
0x12: {  	_ =	swait.ge [sflag:s11], $0x400  }
0x13: {  	[sflag:s11] =	ssyncset.done $0x0  }
0x14: {  	[sflag:s11] =	ssyncadd.s32 $0xFFFFFC00  }
0x15: {  	[bflag:$0x0] =	sbarrier.arrive $0xFFFF  }
0x16: {  	[tilespmem:s3], [sflag:$0x1] =	stream.linear.gather [hbm4b:s7+s3], $0x6200, $0x38;
	[tilespmem:$0x9700] =	vst v63  }
0x17: {  	_ =	swait.ge [sflag:s11], $0x6200  }
0x18: {  	[sflag:s11] =	ssyncset.done $0x0  }
0x19: {  	s15 =	simm.s32 $0x0;
	[sflag:s11] =	ssyncadd.s32 $0xFFFF9E00  }
0x1a: {  	[spmem:s2] =	stream.indirect.scatter.add.f32 [tilespmem:s12], [sflag:$0x1], $0x4, s15, s13, $0xb8;
	[tilespmem:$0x9700] =	vst v63  }
0x1b: {  	_ =	swait.ge [sflag:s11], $0x200  }
0x1c: {  	s15 =	simm.s32 $0x200;
	[sflag:s11] =	ssyncset.done $0x0  }
.LBB2_2:
0x1d: {  	s16 =	sshra.s32 s15, $0x2;
	[sflag:s11] =	ssyncadd.s32 $0xFFFFFE00;
	p0 =	sne.s32 s15, $0x18600  }
0x1e: {  	[spmem:s2] =	stream.indirect.scatter.add.f32 [tilespmem:s12], [sflag:$0x1], $0x4, s16, s13, $0xb8;
	[tilespmem:$0x9700] =	vst v63  }
.Ltmp0:
0x1f: {  	_ = 	snop;
	(pc) =	sbr.rel @p0 .LBB2_2-.Ltmp0, $4  }
0x20: {  	_ = 	snop  }
0x21: {  	s15 =	sadd.s32 $0x200, s15  }
0x22: {  	_ =	swait.ge [sflag:s11], $0x200  }
0x23: {  	[sflag:s11] =	ssyncset.done $0x0  }
0x24: {  	s14 =	sadd.s32 $0x1, s14  }
0x25: {  	[sflag:s11] =	ssyncadd.s32 $0xFFFFFE00;
	p0 =	sne.s32 s14, s8  }
.Ltmp1:
0x26: {  	[bflag:$0x0] =	sbarrier.arrive $0xFFFF;
	(pc) =	sbr.rel @p0 .LBB2_1-.Ltmp1, $4  }
0x27: {  	[hbm:s9], [sflag:s6] =	dma.local [spmem:s10], $0xC40  }
0x28: {  	_ =	swait.ge [sflag:s11], $0xC40  }
0x29: {  	[sflag:s11] =	ssyncset.done $0x0  }
0x2a: {  	[sflag:s11] =	ssyncadd.s32 $0xFFFFF3C0  }
0x2b: {  	_ =	sfence.sel $0x180000  }
0x2c: {  	[bflag:$0x0] =	sbarrier.arrive $0xFFFF  }
0x2d: {  	p0 =	sne.s32 s0, $0x0;
	_ =	strace $0x90000047  }
0x2e: {  	s0 =	sadd.s32 @!p0 $0x100000, s1;
	[bflag:$0x2] =	sbarrier.arrive $0xFFFF  }
0x2f: {  	[sflag:s0] =	ssyncadd.tile.s32 @!p0 $0x1;
	_ =	shalt  }
.Lfunc_end2:
_tile_overlayer_lowered:
.L_overlay_start_2:
0x30: {  	(tag) =	ssettag $0x2  }
0x31: {  	s0 =	rddreg [dreg:$0x0];
	s2 =	stileid.u32  }
0x32: {  	s1 =	rddreg [dreg:$0x1];
	p0 =	sne.s32 s2, $0x0  }
0x33: {  	s3 =	rddreg [dreg:$0x2];
	[bflag:$0x3] =	sbarrier.arrive $0xFFFF;
	s2 =	simm.s32 @!p0 $0x1C01  }
0x34: {  	[timem:s3], [sflag:s2] =	dma.local @!p0 [hbm:s0], s1  }
0x35: {  	s0 =	simm.s32 @!p0 $0x1  }
0x36: {  	_ =	swait.ge @!p0 [sflag:s0], s1  }
0x37: {  	s1 =	ssub.s32 @!p0 $0x0, s1;
	[sflag:s0] =	ssyncset.done @!p0 $0x0  }
0x38: {  	[sflag:s0] =	ssyncadd.s32 @!p0 s1  }
0x39: {  	[bflag:$0x3] =	sbarrier.arrive $0xFFFF  }
0x3a: {  	_ =	shalt  }

</sc_bundles>
